<compile_context>
chip_gen: v7x
topology: tpu7x:2x2x1
jax: 0.10.2.dev20260603
libtpu: 0.0.44.dev20260713+nightly
codegen_flags: <defaults>
</compile_context>

<pallas_src>
import functools

import jax
import jax.numpy as jnp
from jax import lax
from jax.experimental import pallas as pl
from jax.experimental.pallas import tpu as pltpu
from jax.experimental.pallas import tpu_sc as plsc

NC, NS, L = 2, 16, 16
NW = NC * NS
RING = 7
IN_DEPTH = 4
OUT_DEPTH = 3


def _make_sc_kernel(b, s, d, ch_rows=16):
    total_rows = b * s
    rpw = total_rows // NW
    n_ch = rpw // ch_rows
    chunk = ch_rows * d
    mesh = plsc.VectorSubcoreMesh(
        core_axis_name="c", subcore_axis_name="s", num_cores=NC, num_subcores=NS
    )

    @functools.partial(
        pl.kernel,
        out_type=jax.ShapeDtypeStruct((total_rows * d,), jnp.float32),
        mesh=mesh,
        scratch_types=(
            [pltpu.VMEM((chunk,), jnp.float32) for _ in range(RING)]
            + [pltpu.SemaphoreType.DMA for _ in range(2 * RING)]
        ),
    )
    def k(x_hbm, pe_hbm, o_hbm, *bufs_and_sems):
        bufs = bufs_and_sems[:RING]
        si = bufs_and_sems[RING:2 * RING]
        so = bufs_and_sems[2 * RING:]
        w = lax.axis_index("s") * NC + lax.axis_index("c")
        bx = w * (rpw * d)

        def start_in(c):
            r = c % RING
            return pltpu.async_copy(
                x_hbm.at[pl.ds(bx + c * chunk, chunk)], bufs[r], si[r]
            )

        def start_out(c):
            r = c % RING
            return pltpu.async_copy(
                bufs[r], o_hbm.at[pl.ds(bx + c * chunk, chunk)], so[r]
            )

        pend_in = {}
        pend_out = {}
        for c0 in range(min(IN_DEPTH, n_ch)):
            pend_in[c0] = start_in(c0)
        for c in range(n_ch):
            pend_in.pop(c).wait()
            pend_out[c] = start_out(c)
            if c >= OUT_DEPTH:
                pend_out.pop(c - OUT_DEPTH).wait()
            if c + IN_DEPTH < n_ch:
                pend_in[c + IN_DEPTH] = start_in(c + IN_DEPTH)
        for c in sorted(pend_out):
            pend_out.pop(c).wait()

    return k


@jax.jit
def sc_pe_add(x, pe):
    b, s, d = x.shape
    k = _make_sc_kernel(b, s, d)
    out = k(x.reshape(-1), pe.reshape(-1))
    return out.reshape(b, s, d)


def kernel(x, pe):
    return sc_pe_add(x, pe)

# --- scband reference (transcript-rebuilt; emitter-appended) ---
"""Pipeline reference for scband-learned-positional-encoding-15066745274604 (READ-ONLY COPY).

The authoritative reference and input builder live on the scoring server;
editing this copy changes nothing except your own understanding.
"""

import jax, jax.numpy as jnp
import numpy as np

D_MODEL = 1024
MAX_LEN = 2048
BATCH = 4
SEQ_LEN = 2048


def setup_inputs(seed: int = 0) -> dict:
    key = jax.random.key(seed)
    k_x, k_pe = jax.random.split(key)
    x = jax.random.normal(k_x, (BATCH, SEQ_LEN, D_MODEL), dtype=jnp.float32)
    # learned positional embedding table, matching nn.Embedding(max_len, d_model) init N(0,1)
    pe = jax.random.normal(k_pe, (MAX_LEN, D_MODEL), dtype=jnp.float32)
    return {"x": x, "pe": pe}


def reference(x, pe):
    # positions = arange(seq_len); lookup into learned table; broadcast-add over batch
    positions = jnp.arange(x.shape[1])
    pos_emb = jnp.take(pe, positions, axis=0)  # [S, d_model]
    return x + pos_emb[None, :, :]

if __name__ == "__main__":
    import jax
    _d = setup_inputs()
    print(jax.jit(kernel)(*tuple(_d.values())))

</pallas_src>

<mosaic_0001>
#map = affine_map<(d0, d1) -> (0)>
module attributes {stable_mosaic.version = 14 : i64} {
  func.func @k(%arg0: i32, %arg1: i32, %arg2: memref<8388608xf32, #tpu.memory_space<hbm>>, %arg3: memref<2097152xf32, #tpu.memory_space<hbm>>, %arg4: memref<8388608xf32, #tpu.memory_space<hbm>>, %arg5: memref<16384xf32, #tpu.memory_space<vmem>>, %arg6: memref<16384xf32, #tpu.memory_space<vmem>>, %arg7: memref<16384xf32, #tpu.memory_space<vmem>>, %arg8: memref<16384xf32, #tpu.memory_space<vmem>>, %arg9: memref<16384xf32, #tpu.memory_space<vmem>>, %arg10: memref<16384xf32, #tpu.memory_space<vmem>>, %arg11: memref<16384xf32, #tpu.memory_space<vmem>>, %arg12: memref<!tpu.dma_semaphore, #tpu.memory_space<semaphore_mem>>, %arg13: memref<!tpu.dma_semaphore, #tpu.memory_space<semaphore_mem>>, %arg14: memref<!tpu.dma_semaphore, #tpu.memory_space<semaphore_mem>>, %arg15: memref<!tpu.dma_semaphore, #tpu.memory_space<semaphore_mem>>, %arg16: memref<!tpu.dma_semaphore, #tpu.memory_space<semaphore_mem>>, %arg17: memref<!tpu.dma_semaphore, #tpu.memory_space<semaphore_mem>>, %arg18: memref<!tpu.dma_semaphore, #tpu.memory_space<semaphore_mem>>, %arg19: memref<!tpu.dma_semaphore, #tpu.memory_space<semaphore_mem>>, %arg20: memref<!tpu.dma_semaphore, #tpu.memory_space<semaphore_mem>>, %arg21: memref<!tpu.dma_semaphore, #tpu.memory_space<semaphore_mem>>, %arg22: memref<!tpu.dma_semaphore, #tpu.memory_space<semaphore_mem>>, %arg23: memref<!tpu.dma_semaphore, #tpu.memory_space<semaphore_mem>>, %arg24: memref<!tpu.dma_semaphore, #tpu.memory_space<semaphore_mem>>, %arg25: memref<!tpu.dma_semaphore, #tpu.memory_space<semaphore_mem>>) attributes {dimension_semantics = [#tpu.dimension_semantics<core_parallel>, #tpu.dimension_semantics<subcore_parallel>], iteration_bounds = array<i64: 2, 16>, scalar_prefetch = 0 : i64, scratch_operands = 21 : i64, tpu.core_type = #tpu.core_type<sc_vector_subcore>, window_params = [{transform_indices = #map}, {transform_indices = #map}, {transform_indices = #map}]} {
    %mul3A = arith.constant 2 : i32
    %mul3A_0 = arith.muli %arg1, %mul3A : i32
    %add3A = arith.addi %mul3A_0, %arg0 : i32
    %mul3A_1 = arith.constant 262144 : i32
    %mul3A_2 = arith.muli %add3A, %mul3A_1 : i32
    %add3A_3 = arith.constant 0 : i32
    %add3A_4 = arith.addi %mul3A_2, %add3A_3 : i32
    %dma_start3A = tpu.memref_slice %arg2[%add3A_4] : memref<8388608xf32, #tpu.memory_space<hbm>> -> memref<16384xf32, #tpu.memory_space<hbm>>
    %dma_start3A_5 = tpu.memref_slice %arg2[%add3A_4] : memref<8388608xf32, #tpu.memory_space<hbm>> -> memref<16384xf32, #tpu.memory_space<hbm>>
    tpu.enqueue_dma source(%dma_start3A_5 : memref<16384xf32, #tpu.memory_space<hbm>>) target(%arg5 : memref<16384xf32, #tpu.memory_space<vmem>>) target_semaphore(%arg12 : memref<!tpu.dma_semaphore, #tpu.memory_space<semaphore_mem>>)
    %add3A_6 = arith.constant 16384 : i32
    %add3A_7 = arith.addi %mul3A_2, %add3A_6 : i32
    %dma_start3A_8 = tpu.memref_slice %arg2[%add3A_7] : memref<8388608xf32, #tpu.memory_space<hbm>> -> memref<16384xf32, #tpu.memory_space<hbm>>
    %dma_start3A_9 = tpu.memref_slice %arg2[%add3A_7] : memref<8388608xf32, #tpu.memory_space<hbm>> -> memref<16384xf32, #tpu.memory_space<hbm>>
    tpu.enqueue_dma source(%dma_start3A_9 : memref<16384xf32, #tpu.memory_space<hbm>>) target(%arg6 : memref<16384xf32, #tpu.memory_space<vmem>>) target_semaphore(%arg13 : memref<!tpu.dma_semaphore, #tpu.memory_space<semaphore_mem>>)
    %add3A_10 = arith.constant 32768 : i32
    %add3A_11 = arith.addi %mul3A_2, %add3A_10 : i32
    %dma_start3A_12 = tpu.memref_slice %arg2[%add3A_11] : memref<8388608xf32, #tpu.memory_space<hbm>> -> memref<16384xf32, #tpu.memory_space<hbm>>
    %dma_start3A_13 = tpu.memref_slice %arg2[%add3A_11] : memref<8388608xf32, #tpu.memory_space<hbm>> -> memref<16384xf32, #tpu.memory_space<hbm>>
    tpu.enqueue_dma source(%dma_start3A_13 : memref<16384xf32, #tpu.memory_space<hbm>>) target(%arg7 : memref<16384xf32, #tpu.memory_space<vmem>>) target_semaphore(%arg14 : memref<!tpu.dma_semaphore, #tpu.memory_space<semaphore_mem>>)
    %add3A_14 = arith.constant 49152 : i32
    %add3A_15 = arith.addi %mul3A_2, %add3A_14 : i32
    %dma_start3A_16 = tpu.memref_slice %arg2[%add3A_15] : memref<8388608xf32, #tpu.memory_space<hbm>> -> memref<16384xf32, #tpu.memory_space<hbm>>
    %dma_start3A_17 = tpu.memref_slice %arg2[%add3A_15] : memref<8388608xf32, #tpu.memory_space<hbm>> -> memref<16384xf32, #tpu.memory_space<hbm>>
    tpu.enqueue_dma source(%dma_start3A_17 : memref<16384xf32, #tpu.memory_space<hbm>>) target(%arg8 : memref<16384xf32, #tpu.memory_space<vmem>>) target_semaphore(%arg15 : memref<!tpu.dma_semaphore, #tpu.memory_space<semaphore_mem>>)
    %dma_wait3A = tpu.memref_slice %arg2[%add3A_4] : memref<8388608xf32, #tpu.memory_space<hbm>> -> memref<16384xf32, #tpu.memory_space<hbm>>
    %dma_wait3A_18 = tpu.memref_slice %arg2[%add3A_4] : memref<8388608xf32, #tpu.memory_space<hbm>> -> memref<16384xf32, #tpu.memory_space<hbm>>
    tpu.wait_dma2 semaphore(%arg12 : memref<!tpu.dma_semaphore, #tpu.memory_space<semaphore_mem>>) src(%dma_wait3A_18 : memref<16384xf32, #tpu.memory_space<hbm>>) dst(%arg5 : memref<16384xf32, #tpu.memory_space<vmem>>)
    %add3A_19 = arith.constant 0 : i32
    %add3A_20 = arith.addi %mul3A_2, %add3A_19 : i32
    %dma_start3A_21 = tpu.memref_slice %arg4[%add3A_20] : memref<8388608xf32, #tpu.memory_space<hbm>> -> memref<16384xf32, #tpu.memory_space<hbm>>
    %dma_start3A_22 = tpu.memref_slice %arg4[%add3A_20] : memref<8388608xf32, #tpu.memory_space<hbm>> -> memref<16384xf32, #tpu.memory_space<hbm>>
    tpu.enqueue_dma source(%arg5 : memref<16384xf32, #tpu.memory_space<vmem>>) target(%dma_start3A_22 : memref<16384xf32, #tpu.memory_space<hbm>>) target_semaphore(%arg19 : memref<!tpu.dma_semaphore, #tpu.memory_space<semaphore_mem>>)
    %add3A_23 = arith.constant 65536 : i32
    %add3A_24 = arith.addi %mul3A_2, %add3A_23 : i32
    %dma_start3A_25 = tpu.memref_slice %arg2[%add3A_24] : memref<8388608xf32, #tpu.memory_space<hbm>> -> memref<16384xf32, #tpu.memory_space<hbm>>
    %dma_start3A_26 = tpu.memref_slice %arg2[%add3A_24] : memref<8388608xf32, #tpu.memory_space<hbm>> -> memref<16384xf32, #tpu.memory_space<hbm>>
    tpu.enqueue_dma source(%dma_start3A_26 : memref<16384xf32, #tpu.memory_space<hbm>>) target(%arg9 : memref<16384xf32, #tpu.memory_space<vmem>>) target_semaphore(%arg16 : memref<!tpu.dma_semaphore, #tpu.memory_space<semaphore_mem>>)
    %dma_wait3A_27 = tpu.memref_slice %arg2[%add3A_7] : memref<8388608xf32, #tpu.memory_space<hbm>> -> memref<16384xf32, #tpu.memory_space<hbm>>
    %dma_wait3A_28 = tpu.memref_slice %arg2[%add3A_7] : memref<8388608xf32, #tpu.memory_space<hbm>> -> memref<16384xf32, #tpu.memory_space<hbm>>
    tpu.wait_dma2 semaphore(%arg13 : memref<!tpu.dma_semaphore, #tpu.memory_space<semaphore_mem>>) src(%dma_wait3A_28 : memref<16384xf32, #tpu.memory_space<hbm>>) dst(%arg6 : memref<16384xf32, #tpu.memory_space<vmem>>)
    %add3A_29 = arith.constant 16384 : i32
    %add3A_30 = arith.addi %mul3A_2, %add3A_29 : i32
    %dma_start3A_31 = tpu.memref_slice %arg4[%add3A_30] : memref<8388608xf32, #tpu.memory_space<hbm>> -> memref<16384xf32, #tpu.memory_space<hbm>>
    %dma_start3A_32 = tpu.memref_slice %arg4[%add3A_30] : memref<8388608xf32, #tpu.memory_space<hbm>> -> memref<16384xf32, #tpu.memory_space<hbm>>
    tpu.enqueue_dma source(%arg6 : memref<16384xf32, #tpu.memory_space<vmem>>) target(%dma_start3A_32 : memref<16384xf32, #tpu.memory_space<hbm>>) target_semaphore(%arg20 : memref<!tpu.dma_semaphore, #tpu.memory_space<semaphore_mem>>)
    %add3A_33 = arith.constant 81920 : i32
    %add3A_34 = arith.addi %mul3A_2, %add3A_33 : i32
    %dma_start3A_35 = tpu.memref_slice %arg2[%add3A_34] : memref<8388608xf32, #tpu.memory_space<hbm>> -> memref<16384xf32, #tpu.memory_space<hbm>>
    %dma_start3A_36 = tpu.memref_slice %arg2[%add3A_34] : memref<8388608xf32, #tpu.memory_space<hbm>> -> memref<16384xf32, #tpu.memory_space<hbm>>
    tpu.enqueue_dma source(%dma_start3A_36 : memref<16384xf32, #tpu.memory_space<hbm>>) target(%arg10 : memref<16384xf32, #tpu.memory_space<vmem>>) target_semaphore(%arg17 : memref<!tpu.dma_semaphore, #tpu.memory_space<semaphore_mem>>)
    %dma_wait3A_37 = tpu.memref_slice %arg2[%add3A_11] : memref<8388608xf32, #tpu.memory_space<hbm>> -> memref<16384xf32, #tpu.memory_space<hbm>>
    %dma_wait3A_38 = tpu.memref_slice %arg2[%add3A_11] : memref<8388608xf32, #tpu.memory_space<hbm>> -> memref<16384xf32, #tpu.memory_space<hbm>>
    tpu.wait_dma2 semaphore(%arg14 : memref<!tpu.dma_semaphore, #tpu.memory_space<semaphore_mem>>) src(%dma_wait3A_38 : memref<16384xf32, #tpu.memory_space<hbm>>) dst(%arg7 : memref<16384xf32, #tpu.memory_space<vmem>>)
    %add3A_39 = arith.constant 32768 : i32
    %add3A_40 = arith.addi %mul3A_2, %add3A_39 : i32
    %dma_start3A_41 = tpu.memref_slice %arg4[%add3A_40] : memref<8388608xf32, #tpu.memory_space<hbm>> -> memref<16384xf32, #tpu.memory_space<hbm>>
    %dma_start3A_42 = tpu.memref_slice %arg4[%add3A_40] : memref<8388608xf32, #tpu.memory_space<hbm>> -> memref<16384xf32, #tpu.memory_space<hbm>>
    tpu.enqueue_dma source(%arg7 : memref<16384xf32, #tpu.memory_space<vmem>>) target(%dma_start3A_42 : memref<16384xf32, #tpu.memory_space<hbm>>) target_semaphore(%arg21 : memref<!tpu.dma_semaphore, #tpu.memory_space<semaphore_mem>>)
    %add3A_43 = arith.constant 98304 : i32
    %add3A_44 = arith.addi %mul3A_2, %add3A_43 : i32
    %dma_start3A_45 = tpu.memref_slice %arg2[%add3A_44] : memref<8388608xf32, #tpu.memory_space<hbm>> -> memref<16384xf32, #tpu.memory_space<hbm>>
    %dma_start3A_46 = tpu.memref_slice %arg2[%add3A_44] : memref<8388608xf32, #tpu.memory_space<hbm>> -> memref<16384xf32, #tpu.memory_space<hbm>>
    tpu.enqueue_dma source(%dma_start3A_46 : memref<16384xf32, #tpu.memory_space<hbm>>) target(%arg11 : memref<16384xf32, #tpu.memory_space<vmem>>) target_semaphore(%arg18 : memref<!tpu.dma_semaphore, #tpu.memory_space<semaphore_mem>>)
    %dma_wait3A_47 = tpu.memref_slice %arg2[%add3A_15] : memref<8388608xf32, #tpu.memory_space<hbm>> -> memref<16384xf32, #tpu.memory_space<hbm>>
    %dma_wait3A_48 = tpu.memref_slice %arg2[%add3A_15] : memref<8388608xf32, #tpu.memory_space<hbm>> -> memref<16384xf32, #tpu.memory_space<hbm>>
    tpu.wait_dma2 semaphore(%arg15 : memref<!tpu.dma_semaphore, #tpu.memory_space<semaphore_mem>>) src(%dma_wait3A_48 : memref<16384xf32, #tpu.memory_space<hbm>>) dst(%arg8 : memref<16384xf32, #tpu.memory_space<vmem>>)
    %add3A_49 = arith.constant 49152 : i32
    %add3A_50 = arith.addi %mul3A_2, %add3A_49 : i32
    %dma_start3A_51 = tpu.memref_slice %arg4[%add3A_50] : memref<8388608xf32, #tpu.memory_space<hbm>> -> memref<16384xf32, #tpu.memory_space<hbm>>
    %dma_start3A_52 = tpu.memref_slice %arg4[%add3A_50] : memref<8388608xf32, #tpu.memory_space<hbm>> -> memref<16384xf32, #tpu.memory_space<hbm>>
    tpu.enqueue_dma source(%arg8 : memref<16384xf32, #tpu.memory_space<vmem>>) target(%dma_start3A_52 : memref<16384xf32, #tpu.memory_space<hbm>>) target_semaphore(%arg22 : memref<!tpu.dma_semaphore, #tpu.memory_space<semaphore_mem>>)
    %dma_wait3A_53 = tpu.memref_slice %arg4[%add3A_20] : memref<8388608xf32, #tpu.memory_space<hbm>> -> memref<16384xf32, #tpu.memory_space<hbm>>
    %dma_wait3A_54 = tpu.memref_slice %arg4[%add3A_20] : memref<8388608xf32, #tpu.memory_space<hbm>> -> memref<16384xf32, #tpu.memory_space<hbm>>
    tpu.wait_dma2 semaphore(%arg19 : memref<!tpu.dma_semaphore, #tpu.memory_space<semaphore_mem>>) src(%arg5 : memref<16384xf32, #tpu.memory_space<vmem>>) dst(%dma_wait3A_54 : memref<16384xf32, #tpu.memory_space<hbm>>)
    %add3A_55 = arith.constant 114688 : i32
    %add3A_56 = arith.addi %mul3A_2, %add3A_55 : i32
    %dma_start3A_57 = tpu.memref_slice %arg2[%add3A_56] : memref<8388608xf32, #tpu.memory_space<hbm>> -> memref<16384xf32, #tpu.memory_space<hbm>>
    %dma_start3A_58 = tpu.memref_slice %arg2[%add3A_56] : memref<8388608xf32, #tpu.memory_space<hbm>> -> memref<16384xf32, #tpu.memory_space<hbm>>
    tpu.enqueue_dma source(%dma_start3A_58 : memref<16384xf32, #tpu.memory_space<hbm>>) target(%arg5 : memref<16384xf32, #tpu.memory_space<vmem>>) target_semaphore(%arg12 : memref<!tpu.dma_semaphore, #tpu.memory_space<semaphore_mem>>)
    %dma_wait3A_59 = tpu.memref_slice %arg2[%add3A_24] : memref<8388608xf32, #tpu.memory_space<hbm>> -> memref<16384xf32, #tpu.memory_space<hbm>>
    %dma_wait3A_60 = tpu.memref_slice %arg2[%add3A_24] : memref<8388608xf32, #tpu.memory_space<hbm>> -> memref<16384xf32, #tpu.memory_space<hbm>>
    tpu.wait_dma2 semaphore(%arg16 : memref<!tpu.dma_semaphore, #tpu.memory_space<semaphore_mem>>) src(%dma_wait3A_60 : memref<16384xf32, #tpu.memory_space<hbm>>) dst(%arg9 : memref<16384xf32, #tpu.memory_space<vmem>>)
    %add3A_61 = arith.constant 65536 : i32
    %add3A_62 = arith.addi %mul3A_2, %add3A_61 : i32
    %dma_start3A_63 = tpu.memref_slice %arg4[%add3A_62] : memref<8388608xf32, #tpu.memory_space<hbm>> -> memref<16384xf32, #tpu.memory_space<hbm>>
    %dma_start3A_64 = tpu.memref_slice %arg4[%add3A_62] : memref<8388608xf32, #tpu.memory_space<hbm>> -> memref<16384xf32, #tpu.memory_space<hbm>>
    tpu.enqueue_dma source(%arg9 : memref<16384xf32, #tpu.memory_space<vmem>>) target(%dma_start3A_64 : memref<16384xf32, #tpu.memory_space<hbm>>) target_semaphore(%arg23 : memref<!tpu.dma_semaphore, #tpu.memory_space<semaphore_mem>>)
    %dma_wait3A_65 = tpu.memref_slice %arg4[%add3A_30] : memref<8388608xf32, #tpu.memory_space<hbm>> -> memref<16384xf32, #tpu.memory_space<hbm>>
    %dma_wait3A_66 = tpu.memref_slice %arg4[%add3A_30] : memref<8388608xf32, #tpu.memory_space<hbm>> -> memref<16384xf32, #tpu.memory_space<hbm>>
    tpu.wait_dma2 semaphore(%arg20 : memref<!tpu.dma_semaphore, #tpu.memory_space<semaphore_mem>>) src(%arg6 : memref<16384xf32, #tpu.memory_space<vmem>>) dst(%dma_wait3A_66 : memref<16384xf32, #tpu.memory_space<hbm>>)
    %add3A_67 = arith.constant 131072 : i32
    %add3A_68 = arith.addi %mul3A_2, %add3A_67 : i32
    %dma_start3A_69 = tpu.memref_slice %arg2[%add3A_68] : memref<8388608xf32, #tpu.memory_space<hbm>> -> memref<16384xf32, #tpu.memory_space<hbm>>
    %dma_start3A_70 = tpu.memref_slice %arg2[%add3A_68] : memref<8388608xf32, #tpu.memory_space<hbm>> -> memref<16384xf32, #tpu.memory_space<hbm>>
    tpu.enqueue_dma source(%dma_start3A_70 : memref<16384xf32, #tpu.memory_space<hbm>>) target(%arg6 : memref<16384xf32, #tpu.memory_space<vmem>>) target_semaphore(%arg13 : memref<!tpu.dma_semaphore, #tpu.memory_space<semaphore_mem>>)
    %dma_wait3A_71 = tpu.memref_slice %arg2[%add3A_34] : memref<8388608xf32, #tpu.memory_space<hbm>> -> memref<16384xf32, #tpu.memory_space<hbm>>
    %dma_wait3A_72 = tpu.memref_slice %arg2[%add3A_34] : memref<8388608xf32, #tpu.memory_space<hbm>> -> memref<16384xf32, #tpu.memory_space<hbm>>
    tpu.wait_dma2 semaphore(%arg17 : memref<!tpu.dma_semaphore, #tpu.memory_space<semaphore_mem>>) src(%dma_wait3A_72 : memref<16384xf32, #tpu.memory_space<hbm>>) dst(%arg10 : memref<16384xf32, #tpu.memory_space<vmem>>)
    %add3A_73 = arith.constant 81920 : i32
    %add3A_74 = arith.addi %mul3A_2, %add3A_73 : i32
    %dma_start3A_75 = tpu.memref_slice %arg4[%add3A_74] : memref<8388608xf32, #tpu.memory_space<hbm>> -> memref<16384xf32, #tpu.memory_space<hbm>>
    %dma_start3A_76 = tpu.memref_slice %arg4[%add3A_74] : memref<8388608xf32, #tpu.memory_space<hbm>> -> memref<16384xf32, #tpu.memory_space<hbm>>
    tpu.enqueue_dma source(%arg10 : memref<16384xf32, #tpu.memory_space<vmem>>) target(%dma_start3A_76 : memref<16384xf32, #tpu.memory_space<hbm>>) target_semaphore(%arg24 : memref<!tpu.dma_semaphore, #tpu.memory_space<semaphore_mem>>)
    %dma_wait3A_77 = tpu.memref_slice %arg4[%add3A_40] : memref<8388608xf32, #tpu.memory_space<hbm>> -> memref<16384xf32, #tpu.memory_space<hbm>>
    %dma_wait3A_78 = tpu.memref_slice %arg4[%add3A_40] : memref<8388608xf32, #tpu.memory_space<hbm>> -> memref<16384xf32, #tpu.memory_space<hbm>>
    tpu.wait_dma2 semaphore(%arg21 : memref<!tpu.dma_semaphore, #tpu.memory_space<semaphore_mem>>) src(%arg7 : memref<16384xf32, #tpu.memory_space<vmem>>) dst(%dma_wait3A_78 : memref<16384xf32, #tpu.memory_space<hbm>>)
    %add3A_79 = arith.constant 147456 : i32
    %add3A_80 = arith.addi %mul3A_2, %add3A_79 : i32
    %dma_start3A_81 = tpu.memref_slice %arg2[%add3A_80] : memref<8388608xf32, #tpu.memory_space<hbm>> -> memref<16384xf32, #tpu.memory_space<hbm>>
    %dma_start3A_82 = tpu.memref_slice %arg2[%add3A_80] : memref<8388608xf32, #tpu.memory_space<hbm>> -> memref<16384xf32, #tpu.memory_space<hbm>>
    tpu.enqueue_dma source(%dma_start3A_82 : memref<16384xf32, #tpu.memory_space<hbm>>) target(%arg7 : memref<16384xf32, #tpu.memory_space<vmem>>) target_semaphore(%arg14 : memref<!tpu.dma_semaphore, #tpu.memory_space<semaphore_mem>>)
    %dma_wait3A_83 = tpu.memref_slice %arg2[%add3A_44] : memref<8388608xf32, #tpu.memory_space<hbm>> -> memref<16384xf32, #tpu.memory_space<hbm>>
    %dma_wait3A_84 = tpu.memref_slice %arg2[%add3A_44] : memref<8388608xf32, #tpu.memory_space<hbm>> -> memref<16384xf32, #tpu.memory_space<hbm>>
    tpu.wait_dma2 semaphore(%arg18 : memref<!tpu.dma_semaphore, #tpu.memory_space<semaphore_mem>>) src(%dma_wait3A_84 : memref<16384xf32, #tpu.memory_space<hbm>>) dst(%arg11 : memref<16384xf32, #tpu.memory_space<vmem>>)
    %add3A_85 = arith.constant 98304 : i32
    %add3A_86 = arith.addi %mul3A_2, %add3A_85 : i32
    %dma_start3A_87 = tpu.memref_slice %arg4[%add3A_86] : memref<8388608xf32, #tpu.memory_space<hbm>> -> memref<16384xf32, #tpu.memory_space<hbm>>
    %dma_start3A_88 = tpu.memref_slice %arg4[%add3A_86] : memref<8388608xf32, #tpu.memory_space<hbm>> -> memref<16384xf32, #tpu.memory_space<hbm>>
    tpu.enqueue_dma source(%arg11 : memref<16384xf32, #tpu.memory_space<vmem>>) target(%dma_start3A_88 : memref<16384xf32, #tpu.memory_space<hbm>>) target_semaphore(%arg25 : memref<!tpu.dma_semaphore, #tpu.memory_space<semaphore_mem>>)
    %dma_wait3A_89 = tpu.memref_slice %arg4[%add3A_50] : memref<8388608xf32, #tpu.memory_space<hbm>> -> memref<16384xf32, #tpu.memory_space<hbm>>
    %dma_wait3A_90 = tpu.memref_slice %arg4[%add3A_50] : memref<8388608xf32, #tpu.memory_space<hbm>> -> memref<16384xf32, #tpu.memory_space<hbm>>
    tpu.wait_dma2 semaphore(%arg22 : memref<!tpu.dma_semaphore, #tpu.memory_space<semaphore_mem>>) src(%arg8 : memref<16384xf32, #tpu.memory_space<vmem>>) dst(%dma_wait3A_90 : memref<16384xf32, #tpu.memory_space<hbm>>)
    %add3A_91 = arith.constant 163840 : i32
    %add3A_92 = arith.addi %mul3A_2, %add3A_91 : i32
    %dma_start3A_93 = tpu.memref_slice %arg2[%add3A_92] : memref<8388608xf32, #tpu.memory_space<hbm>> -> memref<16384xf32, #tpu.memory_space<hbm>>
    %dma_start3A_94 = tpu.memref_slice %arg2[%add3A_92] : memref<8388608xf32, #tpu.memory_space<hbm>> -> memref<16384xf32, #tpu.memory_space<hbm>>
    tpu.enqueue_dma source(%dma_start3A_94 : memref<16384xf32, #tpu.memory_space<hbm>>) target(%arg8 : memref<16384xf32, #tpu.memory_space<vmem>>) target_semaphore(%arg15 : memref<!tpu.dma_semaphore, #tpu.memory_space<semaphore_mem>>)
    %dma_wait3A_95 = tpu.memref_slice %arg2[%add3A_56] : memref<8388608xf32, #tpu.memory_space<hbm>> -> memref<16384xf32, #tpu.memory_space<hbm>>
    %dma_wait3A_96 = tpu.memref_slice %arg2[%add3A_56] : memref<8388608xf32, #tpu.memory_space<hbm>> -> memref<16384xf32, #tpu.memory_space<hbm>>
    tpu.wait_dma2 semaphore(%arg12 : memref<!tpu.dma_semaphore, #tpu.memory_space<semaphore_mem>>) src(%dma_wait3A_96 : memref<16384xf32, #tpu.memory_space<hbm>>) dst(%arg5 : memref<16384xf32, #tpu.memory_space<vmem>>)
    %add3A_97 = arith.constant 114688 : i32
    %add3A_98 = arith.addi %mul3A_2, %add3A_97 : i32
    %dma_start3A_99 = tpu.memref_slice %arg4[%add3A_98] : memref<8388608xf32, #tpu.memory_space<hbm>> -> memref<16384xf32, #tpu.memory_space<hbm>>
    %dma_start3A_100 = tpu.memref_slice %arg4[%add3A_98] : memref<8388608xf32, #tpu.memory_space<hbm>> -> memref<16384xf32, #tpu.memory_space<hbm>>
    tpu.enqueue_dma source(%arg5 : memref<16384xf32, #tpu.memory_space<vmem>>) target(%dma_start3A_100 : memref<16384xf32, #tpu.memory_space<hbm>>) target_semaphore(%arg19 : memref<!tpu.dma_semaphore, #tpu.memory_space<semaphore_mem>>)
    %dma_wait3A_101 = tpu.memref_slice %arg4[%add3A_62] : memref<8388608xf32, #tpu.memory_space<hbm>> -> memref<16384xf32, #tpu.memory_space<hbm>>
    %dma_wait3A_102 = tpu.memref_slice %arg4[%add3A_62] : memref<8388608xf32, #tpu.memory_space<hbm>> -> memref<16384xf32, #tpu.memory_space<hbm>>
    tpu.wait_dma2 semaphore(%arg23 : memref<!tpu.dma_semaphore, #tpu.memory_space<semaphore_mem>>) src(%arg9 : memref<16384xf32, #tpu.memory_space<vmem>>) dst(%dma_wait3A_102 : memref<16384xf32, #tpu.memory_space<hbm>>)
    %add3A_103 = arith.constant 180224 : i32
    %add3A_104 = arith.addi %mul3A_2, %add3A_103 : i32
    %dma_start3A_105 = tpu.memref_slice %arg2[%add3A_104] : memref<8388608xf32, #tpu.memory_space<hbm>> -> memref<16384xf32, #tpu.memory_space<hbm>>
    %dma_start3A_106 = tpu.memref_slice %arg2[%add3A_104] : memref<8388608xf32, #tpu.memory_space<hbm>> -> memref<16384xf32, #tpu.memory_space<hbm>>
    tpu.enqueue_dma source(%dma_start3A_106 : memref<16384xf32, #tpu.memory_space<hbm>>) target(%arg9 : memref<16384xf32, #tpu.memory_space<vmem>>) target_semaphore(%arg16 : memref<!tpu.dma_semaphore, #tpu.memory_space<semaphore_mem>>)
    %dma_wait3A_107 = tpu.memref_slice %arg2[%add3A_68] : memref<8388608xf32, #tpu.memory_space<hbm>> -> memref<16384xf32, #tpu.memory_space<hbm>>
    %dma_wait3A_108 = tpu.memref_slice %arg2[%add3A_68] : memref<8388608xf32, #tpu.memory_space<hbm>> -> memref<16384xf32, #tpu.memory_space<hbm>>
    tpu.wait_dma2 semaphore(%arg13 : memref<!tpu.dma_semaphore, #tpu.memory_space<semaphore_mem>>) src(%dma_wait3A_108 : memref<16384xf32, #tpu.memory_space<hbm>>) dst(%arg6 : memref<16384xf32, #tpu.memory_space<vmem>>)
    %add3A_109 = arith.constant 131072 : i32
    %add3A_110 = arith.addi %mul3A_2, %add3A_109 : i32
    %dma_start3A_111 = tpu.memref_slice %arg4[%add3A_110] : memref<8388608xf32, #tpu.memory_space<hbm>> -> memref<16384xf32, #tpu.memory_space<hbm>>
    %dma_start3A_112 = tpu.memref_slice %arg4[%add3A_110] : memref<8388608xf32, #tpu.memory_space<hbm>> -> memref<16384xf32, #tpu.memory_space<hbm>>
    tpu.enqueue_dma source(%arg6 : memref<16384xf32, #tpu.memory_space<vmem>>) target(%dma_start3A_112 : memref<16384xf32, #tpu.memory_space<hbm>>) target_semaphore(%arg20 : memref<!tpu.dma_semaphore, #tpu.memory_space<semaphore_mem>>)
    %dma_wait3A_113 = tpu.memref_slice %arg4[%add3A_74] : memref<8388608xf32, #tpu.memory_space<hbm>> -> memref<16384xf32, #tpu.memory_space<hbm>>
    %dma_wait3A_114 = tpu.memref_slice %arg4[%add3A_74] : memref<8388608xf32, #tpu.memory_space<hbm>> -> memref<16384xf32, #tpu.memory_space<hbm>>
    tpu.wait_dma2 semaphore(%arg24 : memref<!tpu.dma_semaphore, #tpu.memory_space<semaphore_mem>>) src(%arg10 : memref<16384xf32, #tpu.memory_space<vmem>>) dst(%dma_wait3A_114 : memref<16384xf32, #tpu.memory_space<hbm>>)
    %add3A_115 = arith.constant 196608 : i32
    %add3A_116 = arith.addi %mul3A_2, %add3A_115 : i32
    %dma_start3A_117 = tpu.memref_slice %arg2[%add3A_116] : memref<8388608xf32, #tpu.memory_space<hbm>> -> memref<16384xf32, #tpu.memory_space<hbm>>
    %dma_start3A_118 = tpu.memref_slice %arg2[%add3A_116] : memref<8388608xf32, #tpu.memory_space<hbm>> -> memref<16384xf32, #tpu.memory_space<hbm>>
    tpu.enqueue_dma source(%dma_start3A_118 : memref<16384xf32, #tpu.memory_space<hbm>>) target(%arg10 : memref<16384xf32, #tpu.memory_space<vmem>>) target_semaphore(%arg17 : memref<!tpu.dma_semaphore, #tpu.memory_space<semaphore_mem>>)
    %dma_wait3A_119 = tpu.memref_slice %arg2[%add3A_80] : memref<8388608xf32, #tpu.memory_space<hbm>> -> memref<16384xf32, #tpu.memory_space<hbm>>
    %dma_wait3A_120 = tpu.memref_slice %arg2[%add3A_80] : memref<8388608xf32, #tpu.memory_space<hbm>> -> memref<16384xf32, #tpu.memory_space<hbm>>
    tpu.wait_dma2 semaphore(%arg14 : memref<!tpu.dma_semaphore, #tpu.memory_space<semaphore_mem>>) src(%dma_wait3A_120 : memref<16384xf32, #tpu.memory_space<hbm>>) dst(%arg7 : memref<16384xf32, #tpu.memory_space<vmem>>)
    %add3A_121 = arith.constant 147456 : i32
    %add3A_122 = arith.addi %mul3A_2, %add3A_121 : i32
    %dma_start3A_123 = tpu.memref_slice %arg4[%add3A_122] : memref<8388608xf32, #tpu.memory_space<hbm>> -> memref<16384xf32, #tpu.memory_space<hbm>>
    %dma_start3A_124 = tpu.memref_slice %arg4[%add3A_122] : memref<8388608xf32, #tpu.memory_space<hbm>> -> memref<16384xf32, #tpu.memory_space<hbm>>
    tpu.enqueue_dma source(%arg7 : memref<16384xf32, #tpu.memory_space<vmem>>) target(%dma_start3A_124 : memref<16384xf32, #tpu.memory_space<hbm>>) target_semaphore(%arg21 : memref<!tpu.dma_semaphore, #tpu.memory_space<semaphore_mem>>)
    %dma_wait3A_125 = tpu.memref_slice %arg4[%add3A_86] : memref<8388608xf32, #tpu.memory_space<hbm>> -> memref<16384xf32, #tpu.memory_space<hbm>>
    %dma_wait3A_126 = tpu.memref_slice %arg4[%add3A_86] : memref<8388608xf32, #tpu.memory_space<hbm>> -> memref<16384xf32, #tpu.memory_space<hbm>>
    tpu.wait_dma2 semaphore(%arg25 : memref<!tpu.dma_semaphore, #tpu.memory_space<semaphore_mem>>) src(%arg11 : memref<16384xf32, #tpu.memory_space<vmem>>) dst(%dma_wait3A_126 : memref<16384xf32, #tpu.memory_space<hbm>>)
    %add3A_127 = arith.constant 212992 : i32
    %add3A_128 = arith.addi %mul3A_2, %add3A_127 : i32
    %dma_start3A_129 = tpu.memref_slice %arg2[%add3A_128] : memref<8388608xf32, #tpu.memory_space<hbm>> -> memref<16384xf32, #tpu.memory_space<hbm>>
    %dma_start3A_130 = tpu.memref_slice %arg2[%add3A_128] : memref<8388608xf32, #tpu.memory_space<hbm>> -> memref<16384xf32, #tpu.memory_space<hbm>>
    tpu.enqueue_dma source(%dma_start3A_130 : memref<16384xf32, #tpu.memory_space<hbm>>) target(%arg11 : memref<16384xf32, #tpu.memory_space<vmem>>) target_semaphore(%arg18 : memref<!tpu.dma_semaphore, #tpu.memory_space<semaphore_mem>>)
    %dma_wait3A_131 = tpu.memref_slice %arg2[%add3A_92] : memref<8388608xf32, #tpu.memory_space<hbm>> -> memref<16384xf32, #tpu.memory_space<hbm>>
    %dma_wait3A_132 = tpu.memref_slice %arg2[%add3A_92] : memref<8388608xf32, #tpu.memory_space<hbm>> -> memref<16384xf32, #tpu.memory_space<hbm>>
    tpu.wait_dma2 semaphore(%arg15 : memref<!tpu.dma_semaphore, #tpu.memory_space<semaphore_mem>>) src(%dma_wait3A_132 : memref<16384xf32, #tpu.memory_space<hbm>>) dst(%arg8 : memref<16384xf32, #tpu.memory_space<vmem>>)
    %add3A_133 = arith.constant 163840 : i32
    %add3A_134 = arith.addi %mul3A_2, %add3A_133 : i32
    %dma_start3A_135 = tpu.memref_slice %arg4[%add3A_134] : memref<8388608xf32, #tpu.memory_space<hbm>> -> memref<16384xf32, #tpu.memory_space<hbm>>
    %dma_start3A_136 = tpu.memref_slice %arg4[%add3A_134] : memref<8388608xf32, #tpu.memory_space<hbm>> -> memref<16384xf32, #tpu.memory_space<hbm>>
    tpu.enqueue_dma source(%arg8 : memref<16384xf32, #tpu.memory_space<vmem>>) target(%dma_start3A_136 : memref<16384xf32, #tpu.memory_space<hbm>>) target_semaphore(%arg22 : memref<!tpu.dma_semaphore, #tpu.memory_space<semaphore_mem>>)
    %dma_wait3A_137 = tpu.memref_slice %arg4[%add3A_98] : memref<8388608xf32, #tpu.memory_space<hbm>> -> memref<16384xf32, #tpu.memory_space<hbm>>
    %dma_wait3A_138 = tpu.memref_slice %arg4[%add3A_98] : memref<8388608xf32, #tpu.memory_space<hbm>> -> memref<16384xf32, #tpu.memory_space<hbm>>
    tpu.wait_dma2 semaphore(%arg19 : memref<!tpu.dma_semaphore, #tpu.memory_space<semaphore_mem>>) src(%arg5 : memref<16384xf32, #tpu.memory_space<vmem>>) dst(%dma_wait3A_138 : memref<16384xf32, #tpu.memory_space<hbm>>)
    %add3A_139 = arith.constant 229376 : i32
    %add3A_140 = arith.addi %mul3A_2, %add3A_139 : i32
    %dma_start3A_141 = tpu.memref_slice %arg2[%add3A_140] : memref<8388608xf32, #tpu.memory_space<hbm>> -> memref<16384xf32, #tpu.memory_space<hbm>>
    %dma_start3A_142 = tpu.memref_slice %arg2[%add3A_140] : memref<8388608xf32, #tpu.memory_space<hbm>> -> memref<16384xf32, #tpu.memory_space<hbm>>
    tpu.enqueue_dma source(%dma_start3A_142 : memref<16384xf32, #tpu.memory_space<hbm>>) target(%arg5 : memref<16384xf32, #tpu.memory_space<vmem>>) target_semaphore(%arg12 : memref<!tpu.dma_semaphore, #tpu.memory_space<semaphore_mem>>)
    %dma_wait3A_143 = tpu.memref_slice %arg2[%add3A_104] : memref<8388608xf32, #tpu.memory_space<hbm>> -> memref<16384xf32, #tpu.memory_space<hbm>>
    %dma_wait3A_144 = tpu.memref_slice %arg2[%add3A_104] : memref<8388608xf32, #tpu.memory_space<hbm>> -> memref<16384xf32, #tpu.memory_space<hbm>>
    tpu.wait_dma2 semaphore(%arg16 : memref<!tpu.dma_semaphore, #tpu.memory_space<semaphore_mem>>) src(%dma_wait3A_144 : memref<16384xf32, #tpu.memory_space<hbm>>) dst(%arg9 : memref<16384xf32, #tpu.memory_space<vmem>>)
    %add3A_145 = arith.constant 180224 : i32
    %add3A_146 = arith.addi %mul3A_2, %add3A_145 : i32
    %dma_start3A_147 = tpu.memref_slice %arg4[%add3A_146] : memref<8388608xf32, #tpu.memory_space<hbm>> -> memref<16384xf32, #tpu.memory_space<hbm>>
    %dma_start3A_148 = tpu.memref_slice %arg4[%add3A_146] : memref<8388608xf32, #tpu.memory_space<hbm>> -> memref<16384xf32, #tpu.memory_space<hbm>>
    tpu.enqueue_dma source(%arg9 : memref<16384xf32, #tpu.memory_space<vmem>>) target(%dma_start3A_148 : memref<16384xf32, #tpu.memory_space<hbm>>) target_semaphore(%arg23 : memref<!tpu.dma_semaphore, #tpu.memory_space<semaphore_mem>>)
    %dma_wait3A_149 = tpu.memref_slice %arg4[%add3A_110] : memref<8388608xf32, #tpu.memory_space<hbm>> -> memref<16384xf32, #tpu.memory_space<hbm>>
    %dma_wait3A_150 = tpu.memref_slice %arg4[%add3A_110] : memref<8388608xf32, #tpu.memory_space<hbm>> -> memref<16384xf32, #tpu.memory_space<hbm>>
    tpu.wait_dma2 semaphore(%arg20 : memref<!tpu.dma_semaphore, #tpu.memory_space<semaphore_mem>>) src(%arg6 : memref<16384xf32, #tpu.memory_space<vmem>>) dst(%dma_wait3A_150 : memref<16384xf32, #tpu.memory_space<hbm>>)
    %add3A_151 = arith.constant 245760 : i32
    %add3A_152 = arith.addi %mul3A_2, %add3A_151 : i32
    %dma_start3A_153 = tpu.memref_slice %arg2[%add3A_152] : memref<8388608xf32, #tpu.memory_space<hbm>> -> memref<16384xf32, #tpu.memory_space<hbm>>
    %dma_start3A_154 = tpu.memref_slice %arg2[%add3A_152] : memref<8388608xf32, #tpu.memory_space<hbm>> -> memref<16384xf32, #tpu.memory_space<hbm>>
    tpu.enqueue_dma source(%dma_start3A_154 : memref<16384xf32, #tpu.memory_space<hbm>>) target(%arg6 : memref<16384xf32, #tpu.memory_space<vmem>>) target_semaphore(%arg13 : memref<!tpu.dma_semaphore, #tpu.memory_space<semaphore_mem>>)
    %dma_wait3A_155 = tpu.memref_slice %arg2[%add3A_116] : memref<8388608xf32, #tpu.memory_space<hbm>> -> memref<16384xf32, #tpu.memory_space<hbm>>
    %dma_wait3A_156 = tpu.memref_slice %arg2[%add3A_116] : memref<8388608xf32, #tpu.memory_space<hbm>> -> memref<16384xf32, #tpu.memory_space<hbm>>
    tpu.wait_dma2 semaphore(%arg17 : memref<!tpu.dma_semaphore, #tpu.memory_space<semaphore_mem>>) src(%dma_wait3A_156 : memref<16384xf32, #tpu.memory_space<hbm>>) dst(%arg10 : memref<16384xf32, #tpu.memory_space<vmem>>)
    %add3A_157 = arith.constant 196608 : i32
    %add3A_158 = arith.addi %mul3A_2, %add3A_157 : i32
    %dma_start3A_159 = tpu.memref_slice %arg4[%add3A_158] : memref<8388608xf32, #tpu.memory_space<hbm>> -> memref<16384xf32, #tpu.memory_space<hbm>>
    %dma_start3A_160 = tpu.memref_slice %arg4[%add3A_158] : memref<8388608xf32, #tpu.memory_space<hbm>> -> memref<16384xf32, #tpu.memory_space<hbm>>
    tpu.enqueue_dma source(%arg10 : memref<16384xf32, #tpu.memory_space<vmem>>) target(%dma_start3A_160 : memref<16384xf32, #tpu.memory_space<hbm>>) target_semaphore(%arg24 : memref<!tpu.dma_semaphore, #tpu.memory_space<semaphore_mem>>)
    %dma_wait3A_161 = tpu.memref_slice %arg4[%add3A_122] : memref<8388608xf32, #tpu.memory_space<hbm>> -> memref<16384xf32, #tpu.memory_space<hbm>>
    %dma_wait3A_162 = tpu.memref_slice %arg4[%add3A_122] : memref<8388608xf32, #tpu.memory_space<hbm>> -> memref<16384xf32, #tpu.memory_space<hbm>>
    tpu.wait_dma2 semaphore(%arg21 : memref<!tpu.dma_semaphore, #tpu.memory_space<semaphore_mem>>) src(%arg7 : memref<16384xf32, #tpu.memory_space<vmem>>) dst(%dma_wait3A_162 : memref<16384xf32, #tpu.memory_space<hbm>>)
    %dma_wait3A_163 = tpu.memref_slice %arg2[%add3A_128] : memref<8388608xf32, #tpu.memory_space<hbm>> -> memref<16384xf32, #tpu.memory_space<hbm>>
    %dma_wait3A_164 = tpu.memref_slice %arg2[%add3A_128] : memref<8388608xf32, #tpu.memory_space<hbm>> -> memref<16384xf32, #tpu.memory_space<hbm>>
    tpu.wait_dma2 semaphore(%arg18 : memref<!tpu.dma_semaphore, #tpu.memory_space<semaphore_mem>>) src(%dma_wait3A_164 : memref<16384xf32, #tpu.memory_space<hbm>>) dst(%arg11 : memref<16384xf32, #tpu.memory_space<vmem>>)
    %add3A_165 = arith.constant 212992 : i32
    %add3A_166 = arith.addi %mul3A_2, %add3A_165 : i32
    %dma_start3A_167 = tpu.memref_slice %arg4[%add3A_166] : memref<8388608xf32, #tpu.memory_space<hbm>> -> memref<16384xf32, #tpu.memory_space<hbm>>
    %dma_start3A_168 = tpu.memref_slice %arg4[%add3A_166] : memref<8388608xf32, #tpu.memory_space<hbm>> -> memref<16384xf32, #tpu.memory_space<hbm>>
    tpu.enqueue_dma source(%arg11 : memref<16384xf32, #tpu.memory_space<vmem>>) target(%dma_start3A_168 : memref<16384xf32, #tpu.memory_space<hbm>>) target_semaphore(%arg25 : memref<!tpu.dma_semaphore, #tpu.memory_space<semaphore_mem>>)
    %dma_wait3A_169 = tpu.memref_slice %arg4[%add3A_134] : memref<8388608xf32, #tpu.memory_space<hbm>> -> memref<16384xf32, #tpu.memory_space<hbm>>
    %dma_wait3A_170 = tpu.memref_slice %arg4[%add3A_134] : memref<8388608xf32, #tpu.memory_space<hbm>> -> memref<16384xf32, #tpu.memory_space<hbm>>
    tpu.wait_dma2 semaphore(%arg22 : memref<!tpu.dma_semaphore, #tpu.memory_space<semaphore_mem>>) src(%arg8 : memref<16384xf32, #tpu.memory_space<vmem>>) dst(%dma_wait3A_170 : memref<16384xf32, #tpu.memory_space<hbm>>)
    %dma_wait3A_171 = tpu.memref_slice %arg2[%add3A_140] : memref<8388608xf32, #tpu.memory_space<hbm>> -> memref<16384xf32, #tpu.memory_space<hbm>>
    %dma_wait3A_172 = tpu.memref_slice %arg2[%add3A_140] : memref<8388608xf32, #tpu.memory_space<hbm>> -> memref<16384xf32, #tpu.memory_space<hbm>>
    tpu.wait_dma2 semaphore(%arg12 : memref<!tpu.dma_semaphore, #tpu.memory_space<semaphore_mem>>) src(%dma_wait3A_172 : memref<16384xf32, #tpu.memory_space<hbm>>) dst(%arg5 : memref<16384xf32, #tpu.memory_space<vmem>>)
    %add3A_173 = arith.constant 229376 : i32
    %add3A_174 = arith.addi %mul3A_2, %add3A_173 : i32
    %dma_start3A_175 = tpu.memref_slice %arg4[%add3A_174] : memref<8388608xf32, #tpu.memory_space<hbm>> -> memref<16384xf32, #tpu.memory_space<hbm>>
    %dma_start3A_176 = tpu.memref_slice %arg4[%add3A_174] : memref<8388608xf32, #tpu.memory_space<hbm>> -> memref<16384xf32, #tpu.memory_space<hbm>>
    tpu.enqueue_dma source(%arg5 : memref<16384xf32, #tpu.memory_space<vmem>>) target(%dma_start3A_176 : memref<16384xf32, #tpu.memory_space<hbm>>) target_semaphore(%arg19 : memref<!tpu.dma_semaphore, #tpu.memory_space<semaphore_mem>>)
    %dma_wait3A_177 = tpu.memref_slice %arg4[%add3A_146] : memref<8388608xf32, #tpu.memory_space<hbm>> -> memref<16384xf32, #tpu.memory_space<hbm>>
    %dma_wait3A_178 = tpu.memref_slice %arg4[%add3A_146] : memref<8388608xf32, #tpu.memory_space<hbm>> -> memref<16384xf32, #tpu.memory_space<hbm>>
    tpu.wait_dma2 semaphore(%arg23 : memref<!tpu.dma_semaphore, #tpu.memory_space<semaphore_mem>>) src(%arg9 : memref<16384xf32, #tpu.memory_space<vmem>>) dst(%dma_wait3A_178 : memref<16384xf32, #tpu.memory_space<hbm>>)
    %dma_wait3A_179 = tpu.memref_slice %arg2[%add3A_152] : memref<8388608xf32, #tpu.memory_space<hbm>> -> memref<16384xf32, #tpu.memory_space<hbm>>
    %dma_wait3A_180 = tpu.memref_slice %arg2[%add3A_152] : memref<8388608xf32, #tpu.memory_space<hbm>> -> memref<16384xf32, #tpu.memory_space<hbm>>
    tpu.wait_dma2 semaphore(%arg13 : memref<!tpu.dma_semaphore, #tpu.memory_space<semaphore_mem>>) src(%dma_wait3A_180 : memref<16384xf32, #tpu.memory_space<hbm>>) dst(%arg6 : memref<16384xf32, #tpu.memory_space<vmem>>)
    %add3A_181 = arith.constant 245760 : i32
    %add3A_182 = arith.addi %mul3A_2, %add3A_181 : i32
    %dma_start3A_183 = tpu.memref_slice %arg4[%add3A_182] : memref<8388608xf32, #tpu.memory_space<hbm>> -> memref<16384xf32, #tpu.memory_space<hbm>>
    %dma_start3A_184 = tpu.memref_slice %arg4[%add3A_182] : memref<8388608xf32, #tpu.memory_space<hbm>> -> memref<16384xf32, #tpu.memory_space<hbm>>
    tpu.enqueue_dma source(%arg6 : memref<16384xf32, #tpu.memory_space<vmem>>) target(%dma_start3A_184 : memref<16384xf32, #tpu.memory_space<hbm>>) target_semaphore(%arg20 : memref<!tpu.dma_semaphore, #tpu.memory_space<semaphore_mem>>)
    %dma_wait3A_185 = tpu.memref_slice %arg4[%add3A_158] : memref<8388608xf32, #tpu.memory_space<hbm>> -> memref<16384xf32, #tpu.memory_space<hbm>>
    %dma_wait3A_186 = tpu.memref_slice %arg4[%add3A_158] : memref<8388608xf32, #tpu.memory_space<hbm>> -> memref<16384xf32, #tpu.memory_space<hbm>>
    tpu.wait_dma2 semaphore(%arg24 : memref<!tpu.dma_semaphore, #tpu.memory_space<semaphore_mem>>) src(%arg10 : memref<16384xf32, #tpu.memory_space<vmem>>) dst(%dma_wait3A_186 : memref<16384xf32, #tpu.memory_space<hbm>>)
    %dma_wait3A_187 = tpu.memref_slice %arg4[%add3A_166] : memref<8388608xf32, #tpu.memory_space<hbm>> -> memref<16384xf32, #tpu.memory_space<hbm>>
    %dma_wait3A_188 = tpu.memref_slice %arg4[%add3A_166] : memref<8388608xf32, #tpu.memory_space<hbm>> -> memref<16384xf32, #tpu.memory_space<hbm>>
    tpu.wait_dma2 semaphore(%arg25 : memref<!tpu.dma_semaphore, #tpu.memory_space<semaphore_mem>>) src(%arg11 : memref<16384xf32, #tpu.memory_space<vmem>>) dst(%dma_wait3A_188 : memref<16384xf32, #tpu.memory_space<hbm>>)
    %dma_wait3A_189 = tpu.memref_slice %arg4[%add3A_174] : memref<8388608xf32, #tpu.memory_space<hbm>> -> memref<16384xf32, #tpu.memory_space<hbm>>
    %dma_wait3A_190 = tpu.memref_slice %arg4[%add3A_174] : memref<8388608xf32, #tpu.memory_space<hbm>> -> memref<16384xf32, #tpu.memory_space<hbm>>
    tpu.wait_dma2 semaphore(%arg19 : memref<!tpu.dma_semaphore, #tpu.memory_space<semaphore_mem>>) src(%arg5 : memref<16384xf32, #tpu.memory_space<vmem>>) dst(%dma_wait3A_190 : memref<16384xf32, #tpu.memory_space<hbm>>)
    %dma_wait3A_191 = tpu.memref_slice %arg4[%add3A_182] : memref<8388608xf32, #tpu.memory_space<hbm>> -> memref<16384xf32, #tpu.memory_space<hbm>>
    %dma_wait3A_192 = tpu.memref_slice %arg4[%add3A_182] : memref<8388608xf32, #tpu.memory_space<hbm>> -> memref<16384xf32, #tpu.memory_space<hbm>>
    tpu.wait_dma2 semaphore(%arg20 : memref<!tpu.dma_semaphore, #tpu.memory_space<semaphore_mem>>) src(%arg6 : memref<16384xf32, #tpu.memory_space<vmem>>) dst(%dma_wait3A_192 : memref<16384xf32, #tpu.memory_space<hbm>>)
    return
  }
}

</mosaic_0001>

<sc_bundles>
// kernel: sc_pe_add.3.cloned.1.call-start
scs
__scs_entry_jumppad:
0x0: {  	(pc) =	sbr.rel $0x88, $3  }
0x1: {  	(tag) =	ssettag $0x0;
	lr =	simm.s32 $0x1  }
0x2: {  	[smem:$0x3F9F] =	sst lr;
	_ =	strace $0xD0000000  }
0x3: {  	_ = 	snop  }
0x4: {  	_ = 	snop  }
0x5: {  	_ = 	snop  }
0x6: {  	_ = 	snop  }
0x7: {  	_ = 	snop  }
__scs_overlays_trampoline_lowered:
0x8: {  	[smem:$0x3FAE] =	sst s0  }
0x9: {  	[smem:$0x3FAF] =	sst s1  }
0xa: {  	[smem:$0x3FB0] =	sst s2  }
0xb: {  	[smem:$0x3FB1] =	sst s3  }
0xc: {  	[smem:$0x3FB2] =	sst s4  }
0xd: {  	[smem:$0x3FB3] =	sst s5  }
0xe: {  	[smem:$0x3FB4] =	sst s6  }
0xf: {  	[smem:$0x3FB5] =	sst s7  }
0x10: {  	[smem:$0x3FB6] =	sst s8  }
0x11: {  	[smem:$0x3FB7] =	sst s9;
	s0 =	simm.s32 @!p0 $0x0  }
0x12: {  	s1 =	sld [smem:$0x3F9D];
	s0 =	simm.s32 @p0 $0x1  }
0x13: {  	[smem:$0x3FB8] =	sst s0;
	s0 =	simm.s32 @!p1 $0x0  }
0x14: {  	s2 =	sld [smem:$0x3F9C];
	s0 =	simm.s32 @p1 $0x1  }
0x15: {  	[smem:$0x3FB9] =	sst s0;
	s0 =	simm.s32 @!p2 $0x0  }
0x16: {  	s3 =	sld [smem:$0x3FDB];
	s0 =	simm.s32 @p2 $0x1  }
0x17: {  	s4 =	simm.s32 $0x1BF5;
	[smem:$0x3FBB] =	sst s0  }
0x18: {  	s0 =	sld [smem:$0x3F9E];
	_ =	swait.ge [sflag:s4], $0x0  }
0x19: {  	s7 =	sld [smem:$0x3F9F]  }
0x1a: {  	s8 =	sadd.s32 $0xFFFFE003, lr  }
0x1b: {  	s9 =	sadd.s32 $0xFFFFFEF7, lr;
	s5 =	simm.s32 $0xFFFFFFFF;
	p2 =	slt.u32 s8, $0xFFFFF086  }
0x1c: {  	p1 =	slt.u32 s9, $0xF7A;
	s5 =	simm.s32 @!p2 $0x0  }
0x1d: {  	s5 =	simm.s32 @p1 $0x1;
	p0 =	seq.s32 s7, s2  }
0x1e: {  	s7 =	smul.u32 @!p0 $0xF7A, s2;
	p2 =	seq.s32 @!p0 s5, $0x0  }
0x1f: {  	s9 =	smul.u32 $0xF7A, s1;
	s8 =	simm.s32 @!p0 $0x1BF5;
	p2 =	por !p2, p0  }
0x20: {  	[sflag:s8] =	ssyncset.s32 @!p0 $0xFFFFF086;
	s6 =	sadd.s32 @!p0 s3, s7;
	s7 =	simm.s32 @!p0 $0x108  }
0x21: {  	s3 =	sadd.s32 s3, s9;
	s6 =	sadd.s32 @!p0 $0x88, s6;
	s7 =	simm.s32 @p2 $0x1082  }
0x22: {  	[simem:s7], [sflag:s8] =	dma.local @!p0 [hbm:s6], $0xF7A  }
0x23: {  	s9 =	sor.u32 $0xD0000000, s2;
	s6 =	simm.s32 $0x108;
	_ =	swait.ge @!p0 [sflag:s8], $0x0  }
0x24: {  	s3 =	sadd.s32 $0x88, s3;
	s6 =	simm.s32 @!p1 $0x1082;
	[sflag:s4] =	ssyncset.s32 $0xFFFFF086  }
0x25: {  	[simem:s6], [sflag:s4] =	dma.local [hbm:s3], $0xF7A  }
0x26: {  	[smem:$0x3F9F] =	sst s1;
	(tag) =	ssettag s2;
	_ =	strace s9  }
0x27: {  	s1 =	sld [smem:$0x3FAF]  }
0x28: {  	s2 =	sld [smem:$0x3FB0]  }
0x29: {  	s4 =	sld [smem:$0x3FB2]  }
0x2a: {  	p0 =	seq.s32 s5, $0x0;
	s5 =	sld [smem:$0x3FB3]  }
0x2b: {  	s6 =	sld [smem:$0x3FB4]  }
0x2c: {  	s7 =	sld [smem:$0x3FB5]  }
0x2d: {  	s3 =	simm.s32 $0x108;
	s8 =	sld [smem:$0x3FB6]  }
0x2e: {  	s3 =	simm.s32 @!p0 $0x1082;
	s9 =	sld [smem:$0x3FB7]  }
0x2f: {  	lr =	sadd.s32 s0, s3;
	s0 =	sld [smem:$0x3FAE]  }
0x30: {  	s3 =	sld [smem:$0x3FB1]  }
0x31: {  	[smem:$0x3FBA] =	sst s10  }
0x32: {  	s10 =	sld [smem:$0x3FB8];
	_ =	sdelay $0x3  }
0x33: {  	p0 =	seq.s32 s10, $0x1;
	s10 =	sld [smem:$0x3FBA];
	_ =	sdelay $0x3  }
0x34: {  	[smem:$0x3FBA] =	sst s10  }
0x35: {  	s10 =	sld [smem:$0x3FB9];
	_ =	sdelay $0x3  }
0x36: {  	p1 =	seq.s32 s10, $0x1;
	s10 =	sld [smem:$0x3FBA];
	_ =	sdelay $0x3  }
0x37: {  	[smem:$0x3FBA] =	sst s10  }
0x38: {  	s10 =	sld [smem:$0x3FBB]  }
0x39: {  	_ = 	snop;
	(pc) =	sbr.ind lr, $3  }
0x3a: {  	_ = 	snop  }
0x3b: {  	_ = 	snop  }
0x3c: {  	p2 =	seq.s32 s10, $0x1;
	s10 =	sld [smem:$0x3FBA]  }
0x3d: {  	_ =	shalt  }
0x3e: {  	_ =	shalt  }
0x3f: {  	_ =	shalt  }
0x40: {  	_ =	shalt  }
0x41: {  	_ =	shalt  }
0x42: {  	_ =	shalt  }
0x43: {  	_ =	shalt  }
0x44: {  	_ =	shalt  }
0x45: {  	_ =	shalt  }
0x46: {  	_ =	shalt  }
0x47: {  	_ =	shalt  }
0x48: {  	_ =	shalt  }
0x49: {  	_ =	shalt  }
0x4a: {  	_ =	shalt  }
0x4b: {  	_ =	shalt  }
0x4c: {  	_ =	shalt  }
0x4d: {  	_ =	shalt  }
0x4e: {  	_ =	shalt  }
0x4f: {  	_ =	shalt  }
0x50: {  	_ =	shalt  }
0x51: {  	_ =	shalt  }
0x52: {  	_ =	shalt  }
0x53: {  	_ =	shalt  }
0x54: {  	_ =	shalt  }
0x55: {  	_ =	shalt  }
0x56: {  	_ =	shalt  }
0x57: {  	_ =	shalt  }
0x58: {  	_ =	shalt  }
0x59: {  	_ =	shalt  }
0x5a: {  	_ =	shalt  }
0x5b: {  	_ =	shalt  }
0x5c: {  	_ =	shalt  }
0x5d: {  	_ =	shalt  }
0x5e: {  	_ =	shalt  }
0x5f: {  	_ =	shalt  }
0x60: {  	_ =	shalt  }
0x61: {  	_ =	shalt  }
0x62: {  	_ =	shalt  }
0x63: {  	_ =	shalt  }
0x64: {  	_ =	shalt  }
0x65: {  	_ =	shalt  }
0x66: {  	_ =	shalt  }
0x67: {  	_ =	shalt  }
0x68: {  	_ =	shalt  }
0x69: {  	_ =	shalt  }
0x6a: {  	_ =	shalt  }
0x6b: {  	_ =	shalt  }
0x6c: {  	_ =	shalt  }
0x6d: {  	_ =	shalt  }
0x6e: {  	_ =	shalt  }
0x6f: {  	_ =	shalt  }
0x70: {  	_ =	shalt  }
0x71: {  	_ =	shalt  }
0x72: {  	_ =	shalt  }
0x73: {  	_ =	shalt  }
0x74: {  	_ =	shalt  }
0x75: {  	_ =	shalt  }
0x76: {  	_ =	shalt  }
0x77: {  	_ =	shalt  }
0x78: {  	_ =	shalt  }
0x79: {  	_ =	shalt  }
0x7a: {  	_ =	shalt  }
0x7b: {  	_ =	shalt  }
0x7c: {  	_ =	shalt  }
0x7d: {  	_ =	shalt  }
0x7e: {  	_ =	shalt  }
0x7f: {  	_ =	shalt  }
0x80: {  	_ =	shalt  }
0x81: {  	_ =	shalt  }
0x82: {  	_ =	shalt  }
0x83: {  	_ =	shalt  }
0x84: {  	_ =	shalt  }
0x85: {  	_ =	shalt  }
0x86: {  	_ =	shalt  }
0x87: {  	_ =	shalt  }
.Lfunc_end0:
.L_simem_size_0:
called_computation.1_lowered:
.L_overlay_start_0:
0x88: {  	s2 =	sld [smem:$0x3FD9]  }
0x89: {  	s3 =	sld [smem:$0x3FFE];
	_ =	sdelay $0x1  }
0x8a: {  	s1 =	srdreg.scid  }
0x8b: {  	s0 =	sand.u32 $0x1, s1  }
0x8c: {  	s17 =	sshll.u32 s0, $0xA;
	s2 =	sadd.s32 s3, s2  }
0x8d: {  	s2 =	sadd.s32 s2, s17  }
0x8e: {  	[smem:$0x3FC6] =	sst s2  }
0x8f: {  	_ = 	snop  }
0x90: {  	s2 =	sld [smem:$0x3FD0];
	(tm) =	ssettm $0x1  }
0x91: {  	s18 =	sld [smem:$0x3FFB];
	_ =	sdelay $0x3  }
0x92: {  	_ =	strace s18  }
0x93: {  	s3 =	sld [smem:$0x3FFC];
	_ =	sdelay $0x3  }
0x94: {  	_ =	strace s3  }
0x95: {  	s3 =	sld [smem:$0x3FFD];
	_ =	sdelay $0x3  }
0x96: {  	_ =	strace s3  }
0x97: {  	_ =	strace $0x8FFFFFFF  }
0x98: {  	s19 =	sld [smem:$0x3FDB];
	_ =	sdelay $0x1  }
0x99: {  	s4 =	simm.s32 $_scs_section_size  }
0x9a: {  	s5 =	simm.s32 $_size__tile_overlayer_lowered;
	s6 =	simm.s32 $_tile_overlayer_lowered  }
0x9b: {  	s22 =	simm.s32 $0x1BFF;
	s21 =	sshll.u32 s6, $0x1;
	s3 =	sadd.s32 s4, s19  }
0x9c: {  	s7 =	simm.s32 $0x0;
	s20 =	sshll.u32 s5, $0x1;
	s5 =	sadd.s32 s21, s3  }
0x9d: {  	[timem:s7], [sflag:s22] =	dma.local [hbm:s5], s20  }
0x9e: {  	_ =	swait.ge [sflag:s22], s20  }
0x9f: {  	s4 =	ssub.s32 $0x0, s20;
	[sflag:s22] =	ssyncset.done $0x0  }
0xa0: {  	[sflag:s22] =	ssyncadd.s32 s4;
	_ =	sdelay $0x1  }
0xa1: {  	s23 =	simm.s32 $0x1B8B  }
0xa2: {  	_ =	swait.ge [sflag:s23], $0x1  }
0xa3: {  	[sflag:s23] =	ssyncset.done $0x0  }
0xa4: {  	s25 =	simm.s32 $0x1B8E;
	s24 =	sld [smem:$0x3FFE];
	[sflag:s23] =	ssyncadd.s32 $0xFFFFFFFF  }
0xa5: {  	s26 =	simm.s32 $execute0_lowered;
	[smem:$0x3FD2] =	sst s25  }
0xa6: {  	s5 =	sshll.u32 s26, $0x1;
	_ =	strace $0x80000049;
	[dreg:$0x1] =	wrdreg $0xFFFFFFFF  }
0xa7: {  	s28 =	simm.s32 $_size_execute0_lowered;
	s3 =	sadd.s32 s3, s5;
	[dreg:$0x0] =	wrdreg $0x0  }
0xa8: {  	s5 =	sshll.u32 s28, $0x1;
	[dreg:$0x2] =	wrdreg s3  }
0xa9: {  	[dreg:$0x3] =	wrdreg s5  }
0xaa: {  	[dreg:$0x4] =	wrdreg $0xC0  }
0xab: {  	_ =	task [dreg:s7], $0x5FFFF  }
0xac: {  	[dreg:$0x1] =	wrdreg $0xFFFFFFFF  }
0xad: {  	[dreg:$0x0] =	wrdreg $0x60  }
0xae: {  	[dreg:$0x2] =	wrdreg s2  }
0xaf: {  	[dreg:$0x3] =	wrdreg s24  }
0xb0: {  	[dreg:$0x4] =	wrdreg $0x9  }
0xb1: {  	_ =	task.clear_ibuf [dreg:s7], $0x5FFFF;
	_ =	strace $0x90000049  }
0xb2: {  	s29 =	simm.s32 $0x9;
	_ =	strace $0x8000004B  }
0xb3: {  	_ =	swait.ge [sflag:s29], $0x1  }
0xb4: {  	[sflag:s29] =	ssyncadd.s32 $0xFFFFFFFF  }
0xb5: {  	_ =	strace $0x9000004B  }
0xb6: {  	_ =	sfence  }
0xb7: {  	s30 =	sld [smem:$0x0];
	_ =	sdelay $0x2  }
0xb8: {  	s31 =	sshll.u32 s1, $0xD;
	s1 =	sshrl.u32 s1, $0x2  }
0xb9: {  	s3 =	sand.u32 $0x4000, s31;
	s1 =	sadd.s32 s1, s30  }
0xba: {  	s0 =	sor.u32 s3, s0;
	s1 =	sshll.u32 s1, $0x11  }
0xbb: {  	s0 =	sor.u32 s1, s0  }
0xbc: {  	s0 =	sadd.s32 $0x8F2B, s0  }
0xbd: {  	[sflag:s0] =	ssyncadd.remote.s32 $0x1  }
0xbe: {  	_ =	sfence.sel $0xFFFF  }
0xbf: {  	[dreg:$0x0] =	wrdreg $0xFFFFFFFF;
	(pc) =	sbr.abs _section_cstart, $3  }
0xc0: {  	[dreg:$0x1] =	wrdreg $0xFFFFFFFF  }
0xc1: {  	_ =	task.clear_ibuf [dreg:s7], $0x2FFFF;
	_ =	strace $0x9FFFFFFF  }
0xc2: {  	(tm) =	ssettm $0x7FFFFFFF  }
0xc3: {  	_ =	shalt  }
tec
execute0_lowered:
.L_overlay_start_1:
0x0: {  	(tag) =	ssettag $0x1  }
0x1: {  	s0 =	rddreg [dreg:$0x0]  }
0x2: {  	s1 =	rddreg [dreg:$0x1]  }
0x3: {  	s2 =	srdreg.scid;
	s3 =	stileid.u32  }
0x4: {  	s29 =	simm.s32 $0x8000;
	s31 =	simm.s32 $0x3;
	s5 =	sand.u32 $0x1, s2  }
0x5: {  	s2 =	simm.s32 $0x0;
	s3 =	sshll.u32 s3, $0x10;
	s4 =	sshll.u32 s5, $0xF  }
0x6: {  	s30 =	simm.s32 $0x4;
	[smem:$0x7FF] =	sst s2;
	s3 =	sor.u32 s4, s3  }
0x7: {  	_ =	strace $0x8000004A;
	s4 =	sadd.s32 s0, s3;
	s6 =	sor.u32 $0x800, s3  }
0x8: {  	s7 =	sor.u32 $0x1000, s3;
	[dreg:$0x3] =	wrdreg s4;
	s26 =	sadd.s32 s0, s6  }
0x9: {  	s11 =	sor.u32 $0x2000, s3;
	s8 =	sadd.s32 s0, s7;
	[dreg:$0x4] =	wrdreg s26  }
0xa: {  	s14 =	sor.u32 $0x2800, s3;
	s12 =	sadd.s32 s0, s11;
	[dreg:$0x5] =	wrdreg s8  }
0xb: {  	s17 =	sor.u32 $0x3000, s3;
	s15 =	sadd.s32 s0, s14;
	[dreg:$0x8] =	wrdreg s12  }
0xc: {  	s20 =	sor.u32 $0x3800, s3;
	s18 =	sadd.s32 s0, s17;
	[dreg:$0xa] =	wrdreg s15  }
0xd: {  	s23 =	sor.u32 $0x4000, s3;
	s21 =	sadd.s32 s0, s20;
	[dreg:$0xc] =	wrdreg s18  }
0xe: {  	s28 =	simm.s32 $0x5;
	s24 =	sadd.s32 s0, s23;
	[dreg:$0xe] =	wrdreg s21  }
0xf: {  	p0 =	por $0x0, $0x0;
	s9 =	sor.u32 $0x1800, s3;
	[dreg:$0x10] =	wrdreg s24  }
0x10: {  	s4 =	sadd.s32 $0x40A00, s1;
	s8 =	sadd.s32 s0, s9;
	s1 =	rddreg [dreg:$0x3]  }
0x11: {  	s5 =	ssub.s32 $0x2, s5;
	s10 =	sadd.s32 s4, s3;
	[dreg:$0x6] =	wrdreg s8  }
0x12: {  	s13 =	sadd.s32 s4, s6;
	s16 =	sadd.s32 s4, s7;
	[dreg:$0x7] =	wrdreg s10  }
0x13: {  	s19 =	sadd.s32 s4, s9;
	s22 =	sadd.s32 s4, s11;
	[dreg:$0x9] =	wrdreg s13  }
0x14: {  	s25 =	sadd.s32 s4, s14;
	s26 =	sor.u32 $0x4800, s3;
	[dreg:$0xb] =	wrdreg s16  }
0x15: {  	s11 =	sadd.s32 s4, s17;
	s12 =	sor.u32 $0x5000, s3;
	[dreg:$0xd] =	wrdreg s19  }
0x16: {  	s14 =	sadd.s32 s4, s20;
	s15 =	sor.u32 $0x5800, s3;
	[dreg:$0xf] =	wrdreg s22  }
0x17: {  	s17 =	sadd.s32 s4, s23;
	s18 =	sor.u32 $0x6000, s3;
	[dreg:$0x11] =	wrdreg s25  }
0x18: {  	s24 =	sor.u32 $0x7000, s3;
	s6 =	simm.s32 $0x8;
	[dreg:$0x13] =	wrdreg s11  }
0x19: {  	s10 =	sadd.s32 s0, s26;
	s13 =	sadd.s32 s0, s12;
	[dreg:$0x15] =	wrdreg s14  }
0x1a: {  	s16 =	sadd.s32 s0, s15;
	[dreg:$0x17] =	wrdreg s17;
	s20 =	sadd.s32 s0, s18  }
0x1b: {  	s21 =	sadd.s32 s4, s26;
	s22 =	sor.u32 $0x6800, s3;
	s19 =	sadd.s32 s4, s12  }
0x1c: {  	s17 =	sadd.s32 s0, s24;
	s15 =	sadd.s32 s4, s15;
	s3 =	sor.u32 $0x7800, s3  }
0x1d: {  	s11 =	sadd.s32 s4, s18;
	s7 =	sadd.s32 s4, s24;
	[dreg:$0x12] =	wrdreg s10  }
0x1e: {  	s26 =	simm.s32 $0xC000;
	s8 =	simm.s32 $0x2;
	[dreg:$0x14] =	wrdreg s13  }
0x1f: {  	s24 =	simm.s32 $0x6;
	[dreg:$0x16] =	wrdreg s16;
	s10 =	sshrl.u32 s5, $0x1  }
0x20: {  	s18 =	simm.s32 $0xC;
	[dreg:$0x18] =	wrdreg s20;
	s5 =	ssub.s32 s5, s10  }
0x21: {  	s12 =	simm.s32 $0xE;
	[dreg:$0x19] =	wrdreg s21;
	s25 =	smax.u32 s5, $0x1  }
0x22: {  	s23 =	sadd.s32 s0, s22;
	s14 =	sadd.s32 s0, s3;
	p1 =	sne.s32 s25, $0x1  }
.Ltmp0:
0x23: {  	s9 =	sadd.s32 s4, s22;
	s3 =	sadd.s32 s4, s3;
	(pc) =	sbr.rel @!p1 .LBB2_3-.Ltmp0, $4  }
0x24: {  	s4 =	simm.s32 $0x4000;
	s22 =	simm.s32 $0x10000;
	s20 =	simm.s32 $0x14000  }
0x25: {  	s16 =	simm.s32 $0x18000;
	s21 =	simm.s32 $0xB;
	s13 =	simm.s32 $0xD  }
0x26: {  	[dreg:$0x1a] =	wrdreg s23;
	s10 =	simm.s32 $0x1;
	s23 =	simm.s32 $0x7  }
0x27: {  	s5 =	simm.s32 $0x9;
	s0 =	sadd.s32 $0xFFFFFFFF, s25;
	s25 =	simm.s32 $0xA  }
0x28: {  	[dreg:$0x1b] =	wrdreg s0  }
0x29: {  	[tilespmem:s2], [sflag:$0x1] =	stream.linear.gather [hbm4b:s1+s2], $0x4000, $0x38;
	[tilespmem:$0x1C000] =	vst v63  }
0x2a: {  	s0 =	rddreg [dreg:$0x4]  }
0x2b: {  	[tilespmem:s4], [sflag:$0x2] =	stream.linear.gather [hbm4b:s0+s2], $0x4000, $0x38;
	[tilespmem:$0x1C000] =	vst v63  }
0x2c: {  	s1 =	rddreg [dreg:$0x5]  }
0x2d: {  	[tilespmem:s29], [sflag:$0x3] =	stream.linear.gather [hbm4b:s1+s2], $0x4000, $0x38;
	[tilespmem:$0x1C000] =	vst v63  }
0x2e: {  	s0 =	rddreg [dreg:$0x6]  }
0x2f: {  	[tilespmem:s26], [sflag:$0x4] =	stream.linear.gather [hbm4b:s0+s2], $0x4000, $0x38;
	[tilespmem:$0x1C000] =	vst v63  }
0x30: {  	_ =	swait.ge [sflag:s10], $0x4000  }
0x31: {  	[sflag:s10] =	ssyncset.done $0x0  }
0x32: {  	s0 =	rddreg [dreg:$0x7];
	[sflag:s10] =	ssyncadd.s32 $0xFFFFC000  }
0x33: {  	[hbm4b:s0+s2] =	stream.linear.scatter [tilespmem:s2], [sflag:$0x8], $0x4000, $0x38;
	[tilespmem:$0x1C000] =	vst v63  }
0x34: {  	s1 =	rddreg [dreg:$0x8]  }
0x35: {  	[tilespmem:s22], [sflag:$0x5] =	stream.linear.gather [hbm4b:s1+s2], $0x4000, $0x38;
	[tilespmem:$0x1C000] =	vst v63  }
0x36: {  	_ =	swait.ge [sflag:s8], $0x4000  }
0x37: {  	[sflag:s8] =	ssyncset.done $0x0  }
0x38: {  	s0 =	rddreg [dreg:$0x9];
	[sflag:s8] =	ssyncadd.s32 $0xFFFFC000  }
0x39: {  	[hbm4b:s0+s2] =	stream.linear.scatter [tilespmem:s4], [sflag:$0x9], $0x4000, $0x38;
	[tilespmem:$0x1C000] =	vst v63  }
0x3a: {  	s1 =	rddreg [dreg:$0xa]  }
0x3b: {  	[tilespmem:s20], [sflag:$0x6] =	stream.linear.gather [hbm4b:s1+s2], $0x4000, $0x38;
	[tilespmem:$0x1C000] =	vst v63  }
0x3c: {  	_ =	swait.ge [sflag:s31], $0x4000  }
0x3d: {  	[sflag:s31] =	ssyncset.done $0x0  }
0x3e: {  	s0 =	rddreg [dreg:$0xb];
	[sflag:s31] =	ssyncadd.s32 $0xFFFFC000  }
0x3f: {  	[hbm4b:s0+s2] =	stream.linear.scatter [tilespmem:s29], [sflag:$0xA], $0x4000, $0x38;
	[tilespmem:$0x1C000] =	vst v63  }
0x40: {  	s1 =	rddreg [dreg:$0xc]  }
0x41: {  	[tilespmem:s16], [sflag:$0x7] =	stream.linear.gather [hbm4b:s1+s2], $0x4000, $0x38;
	[tilespmem:$0x1C000] =	vst v63  }
0x42: {  	_ =	swait.ge [sflag:s30], $0x4000  }
0x43: {  	[sflag:s30] =	ssyncset.done $0x0  }
0x44: {  	s1 =	rddreg [dreg:$0xd];
	[sflag:s30] =	ssyncadd.s32 $0xFFFFC000  }
0x45: {  	[hbm4b:s1+s2] =	stream.linear.scatter [tilespmem:s26], [sflag:$0xB], $0x4000, $0x38;
	[tilespmem:$0x1C000] =	vst v63  }
0x46: {  	_ =	swait.ge [sflag:s6], $0x4000  }
0x47: {  	[sflag:s6] =	ssyncset.done $0x0  }
0x48: {  	s1 =	rddreg [dreg:$0xe];
	[sflag:s6] =	ssyncadd.s32 $0xFFFFC000  }
0x49: {  	[tilespmem:s2], [sflag:$0x1] =	stream.linear.gather [hbm4b:s1+s2], $0x4000, $0x38;
	[tilespmem:$0x1C000] =	vst v63  }
0x4a: {  	_ =	swait.ge [sflag:s28], $0x4000  }
0x4b: {  	[sflag:s28] =	ssyncset.done $0x0  }
0x4c: {  	s1 =	rddreg [dreg:$0xf];
	[sflag:s28] =	ssyncadd.s32 $0xFFFFC000  }
0x4d: {  	[hbm4b:s1+s2] =	stream.linear.scatter [tilespmem:s22], [sflag:$0xC], $0x4000, $0x38;
	[tilespmem:$0x1C000] =	vst v63  }
0x4e: {  	_ =	swait.ge [sflag:s5], $0x4000  }
0x4f: {  	[sflag:s5] =	ssyncset.done $0x0  }
0x50: {  	s1 =	rddreg [dreg:$0x10];
	[sflag:s5] =	ssyncadd.s32 $0xFFFFC000  }
0x51: {  	[tilespmem:s4], [sflag:$0x2] =	stream.linear.gather [hbm4b:s1+s2], $0x4000, $0x38;
	[tilespmem:$0x1C000] =	vst v63  }
0x52: {  	_ =	swait.ge [sflag:s24], $0x4000  }
0x53: {  	[sflag:s24] =	ssyncset.done $0x0  }
0x54: {  	s1 =	rddreg [dreg:$0x11];
	[sflag:s24] =	ssyncadd.s32 $0xFFFFC000  }
0x55: {  	[hbm4b:s1+s2] =	stream.linear.scatter [tilespmem:s20], [sflag:$0xD], $0x4000, $0x38;
	[tilespmem:$0x1C000] =	vst v63  }
0x56: {  	_ =	swait.ge [sflag:s25], $0x4000  }
0x57: {  	[sflag:s25] =	ssyncset.done $0x0  }
0x58: {  	s1 =	rddreg [dreg:$0x12];
	[sflag:s25] =	ssyncadd.s32 $0xFFFFC000  }
0x59: {  	[tilespmem:s29], [sflag:$0x3] =	stream.linear.gather [hbm4b:s1+s2], $0x4000, $0x38;
	[tilespmem:$0x1C000] =	vst v63  }
0x5a: {  	_ =	swait.ge [sflag:s23], $0x4000  }
0x5b: {  	[sflag:s23] =	ssyncset.done $0x0  }
0x5c: {  	s1 =	rddreg [dreg:$0x13];
	[sflag:s23] =	ssyncadd.s32 $0xFFFFC000  }
0x5d: {  	[hbm4b:s1+s2] =	stream.linear.scatter [tilespmem:s16], [sflag:$0xE], $0x4000, $0x38;
	[tilespmem:$0x1C000] =	vst v63  }
0x5e: {  	_ =	swait.ge [sflag:s21], $0x4000  }
0x5f: {  	[sflag:s21] =	ssyncset.done $0x0  }
0x60: {  	s1 =	rddreg [dreg:$0x14];
	[sflag:s21] =	ssyncadd.s32 $0xFFFFC000  }
0x61: {  	[tilespmem:s26], [sflag:$0x4] =	stream.linear.gather [hbm4b:s1+s2], $0x4000, $0x38;
	[tilespmem:$0x1C000] =	vst v63  }
0x62: {  	_ =	swait.ge [sflag:s10], $0x4000  }
0x63: {  	[sflag:s10] =	ssyncset.done $0x0  }
0x64: {  	s1 =	rddreg [dreg:$0x15];
	[sflag:s10] =	ssyncadd.s32 $0xFFFFC000  }
0x65: {  	[hbm4b:s1+s2] =	stream.linear.scatter [tilespmem:s2], [sflag:$0x8], $0x4000, $0x38;
	[tilespmem:$0x1C000] =	vst v63  }
0x66: {  	_ =	swait.ge [sflag:s18], $0x4000  }
0x67: {  	[sflag:s18] =	ssyncset.done $0x0  }
0x68: {  	s1 =	rddreg [dreg:$0x16];
	[sflag:s18] =	ssyncadd.s32 $0xFFFFC000  }
0x69: {  	[tilespmem:s22], [sflag:$0x5] =	stream.linear.gather [hbm4b:s1+s2], $0x4000, $0x38;
	[tilespmem:$0x1C000] =	vst v63  }
0x6a: {  	_ =	swait.ge [sflag:s8], $0x4000  }
0x6b: {  	[sflag:s8] =	ssyncset.done $0x0  }
0x6c: {  	s1 =	rddreg [dreg:$0x17];
	[sflag:s8] =	ssyncadd.s32 $0xFFFFC000  }
0x6d: {  	[hbm4b:s1+s2] =	stream.linear.scatter [tilespmem:s4], [sflag:$0x9], $0x4000, $0x38;
	[tilespmem:$0x1C000] =	vst v63  }
0x6e: {  	_ =	swait.ge [sflag:s13], $0x4000  }
0x6f: {  	[sflag:s13] =	ssyncset.done $0x0  }
0x70: {  	s1 =	rddreg [dreg:$0x18];
	[sflag:s13] =	ssyncadd.s32 $0xFFFFC000  }
0x71: {  	[tilespmem:s20], [sflag:$0x6] =	stream.linear.gather [hbm4b:s1+s2], $0x4000, $0x38;
	[tilespmem:$0x1C000] =	vst v63  }
0x72: {  	_ =	swait.ge [sflag:s31], $0x4000  }
0x73: {  	[sflag:s31] =	ssyncset.done $0x0  }
0x74: {  	s1 =	rddreg [dreg:$0x19];
	[sflag:s31] =	ssyncadd.s32 $0xFFFFC000  }
0x75: {  	[hbm4b:s1+s2] =	stream.linear.scatter [tilespmem:s29], [sflag:$0xA], $0x4000, $0x38;
	[tilespmem:$0x1C000] =	vst v63  }
0x76: {  	_ =	swait.ge [sflag:s12], $0x4000  }
0x77: {  	[sflag:s12] =	ssyncset.done $0x0  }
0x78: {  	s1 =	rddreg [dreg:$0x1a];
	[sflag:s12] =	ssyncadd.s32 $0xFFFFC000  }
0x79: {  	[tilespmem:s16], [sflag:$0x7] =	stream.linear.gather [hbm4b:s1+s2], $0x4000, $0x38;
	[tilespmem:$0x1C000] =	vst v63  }
0x7a: {  	_ =	swait.ge [sflag:s30], $0x4000  }
0x7b: {  	[sflag:s30] =	ssyncset.done $0x0  }
0x7c: {  	[sflag:s30] =	ssyncadd.s32 $0xFFFFC000  }
0x7d: {  	[hbm4b:s19+s2] =	stream.linear.scatter [tilespmem:s26], [sflag:$0xB], $0x4000, $0x38;
	[tilespmem:$0x1C000] =	vst v63  }
0x7e: {  	_ =	swait.ge [sflag:s6], $0x4000  }
0x7f: {  	[sflag:s6] =	ssyncset.done $0x0  }
0x80: {  	[sflag:s6] =	ssyncadd.s32 $0xFFFFC000  }
0x81: {  	[tilespmem:s2], [sflag:$0x1] =	stream.linear.gather [hbm4b:s17+s2], $0x4000, $0x38;
	[tilespmem:$0x1C000] =	vst v63  }
0x82: {  	_ =	swait.ge [sflag:s28], $0x4000  }
0x83: {  	[sflag:s28] =	ssyncset.done $0x0  }
0x84: {  	[sflag:s28] =	ssyncadd.s32 $0xFFFFC000  }
0x85: {  	[hbm4b:s15+s2] =	stream.linear.scatter [tilespmem:s22], [sflag:$0xC], $0x4000, $0x38;
	[tilespmem:$0x1C000] =	vst v63  }
0x86: {  	_ =	swait.ge [sflag:s5], $0x4000  }
0x87: {  	[sflag:s5] =	ssyncset.done $0x0  }
0x88: {  	[sflag:s5] =	ssyncadd.s32 $0xFFFFC000  }
0x89: {  	[tilespmem:s4], [sflag:$0x2] =	stream.linear.gather [hbm4b:s14+s2], $0x4000, $0x38;
	[tilespmem:$0x1C000] =	vst v63  }
0x8a: {  	_ =	swait.ge [sflag:s24], $0x4000  }
0x8b: {  	[sflag:s24] =	ssyncset.done $0x0  }
0x8c: {  	[sflag:s24] =	ssyncadd.s32 $0xFFFFC000  }
0x8d: {  	[hbm4b:s11+s2] =	stream.linear.scatter [tilespmem:s20], [sflag:$0xD], $0x4000, $0x38;
	[tilespmem:$0x1C000] =	vst v63  }
0x8e: {  	_ =	swait.ge [sflag:s25], $0x4000  }
0x8f: {  	[sflag:s25] =	ssyncset.done $0x0  }
0x90: {  	[sflag:s25] =	ssyncadd.s32 $0xFFFFC000  }
0x91: {  	_ =	swait.ge [sflag:s23], $0x4000  }
0x92: {  	[sflag:s23] =	ssyncset.done $0x0  }
0x93: {  	[sflag:s23] =	ssyncadd.s32 $0xFFFFC000  }
0x94: {  	[hbm4b:s9+s2] =	stream.linear.scatter [tilespmem:s16], [sflag:$0xE], $0x4000, $0x38;
	[tilespmem:$0x1C000] =	vst v63  }
0x95: {  	_ =	swait.ge [sflag:s21], $0x4000  }
0x96: {  	[sflag:s21] =	ssyncset.done $0x0  }
0x97: {  	[sflag:s21] =	ssyncadd.s32 $0xFFFFC000  }
0x98: {  	_ =	swait.ge [sflag:s10], $0x4000  }
0x99: {  	[sflag:s10] =	ssyncset.done $0x0  }
0x9a: {  	[sflag:s10] =	ssyncadd.s32 $0xFFFFC000  }
0x9b: {  	[hbm4b:s7+s2] =	stream.linear.scatter [tilespmem:s2], [sflag:$0x8], $0x4000, $0x38;
	[tilespmem:$0x1C000] =	vst v63  }
0x9c: {  	_ =	swait.ge [sflag:s18], $0x4000  }
0x9d: {  	[sflag:s18] =	ssyncset.done $0x0  }
0x9e: {  	[sflag:s18] =	ssyncadd.s32 $0xFFFFC000  }
0x9f: {  	_ =	swait.ge [sflag:s8], $0x4000  }
0xa0: {  	[sflag:s8] =	ssyncset.done $0x0  }
0xa1: {  	[sflag:s8] =	ssyncadd.s32 $0xFFFFC000  }
0xa2: {  	[hbm4b:s3+s2] =	stream.linear.scatter [tilespmem:s4], [sflag:$0x9], $0x4000, $0x38;
	[tilespmem:$0x1C000] =	vst v63  }
0xa3: {  	_ =	swait.ge [sflag:s13], $0x4000  }
0xa4: {  	[sflag:s13] =	ssyncset.done $0x0  }
0xa5: {  	[sflag:s13] =	ssyncadd.s32 $0xFFFFC000  }
0xa6: {  	_ =	swait.ge [sflag:s12], $0x4000  }
0xa7: {  	[sflag:s12] =	ssyncset.done $0x0  }
0xa8: {  	[sflag:s12] =	ssyncadd.s32 $0xFFFFC000  }
0xa9: {  	_ =	swait.ge [sflag:s6], $0x4000  }
0xaa: {  	s1 =	rddreg [dreg:$0x1b]  }
0xab: {  	p1 =	sne.s32 s1, $0x1  }
.Ltmp1:
0xac: {  	_ = 	snop;
	(pc) =	sbr.rel @!p1 .LBB2_3-.Ltmp1, $4  }
0xad: {  	[sflag:s6] =	ssyncset.done $0x0  }
0xae: {  	[sflag:s6] =	ssyncadd.s32 $0xFFFFC000  }
0xaf: {  	p0 =	por $0x1, $0x1;
	_ =	swait.ge [sflag:s5], $0x4000  }
0xb0: {  	s0 =	sadd.s32 $0xFFFFFFFF, s1;
	s1 =	rddreg [dreg:$0x3];
	[sflag:s5] =	ssyncset.done $0x0  }
.LBB2_2:
0xb1: {  	[sflag:s5] =	ssyncadd.s32 $0xFFFFC000;
	s12 =	simm.s32 $0x4000  }
0xb2: {  	s16 =	smov.u32 s19;
	s19 =	smov.u32 s17;
	s17 =	smov.u32 s15  }
0xb3: {  	s15 =	smov.u32 s14;
	s14 =	smov.u32 s11;
	s11 =	smov.u32 s9  }
0xb4: {  	[tilespmem:s2], [sflag:$0x1] =	stream.linear.gather [hbm4b:s1+s2], $0x4000, $0x38;
	[tilespmem:$0x1C000] =	vst v63  }
0xb5: {  	s9 =	smov.u32 s7;
	s7 =	smov.u32 s3;
	s3 =	rddreg [dreg:$0x4]  }
0xb6: {  	[tilespmem:s12], [sflag:$0x2] =	stream.linear.gather [hbm4b:s3+s2], $0x4000, $0x38;
	[tilespmem:$0x1C000] =	vst v63  }
0xb7: {  	s4 =	simm.s32 $0x8000;
	s1 =	rddreg [dreg:$0x5]  }
0xb8: {  	[tilespmem:s4], [sflag:$0x3] =	stream.linear.gather [hbm4b:s1+s2], $0x4000, $0x38;
	[tilespmem:$0x1C000] =	vst v63  }
0xb9: {  	s29 =	simm.s32 $0xC000;
	s3 =	rddreg [dreg:$0x6]  }
0xba: {  	[tilespmem:s29], [sflag:$0x4] =	stream.linear.gather [hbm4b:s3+s2], $0x4000, $0x38;
	[tilespmem:$0x1C000] =	vst v63  }
0xbb: {  	_ =	swait.ge [sflag:s10], $0x4000  }
0xbc: {  	[sflag:s10] =	ssyncset.done $0x0  }
0xbd: {  	s1 =	rddreg [dreg:$0x7];
	[sflag:s10] =	ssyncadd.s32 $0xFFFFC000  }
0xbe: {  	[hbm4b:s1+s2] =	stream.linear.scatter [tilespmem:s2], [sflag:$0x8], $0x4000, $0x38;
	[tilespmem:$0x1C000] =	vst v63  }
0xbf: {  	s26 =	simm.s32 $0x10000;
	s3 =	rddreg [dreg:$0x8]  }
0xc0: {  	[tilespmem:s26], [sflag:$0x5] =	stream.linear.gather [hbm4b:s3+s2], $0x4000, $0x38;
	[tilespmem:$0x1C000] =	vst v63  }
0xc1: {  	_ =	swait.ge [sflag:s8], $0x4000  }
0xc2: {  	[sflag:s8] =	ssyncset.done $0x0  }
0xc3: {  	s4 =	simm.s32 $0x4000;
	s1 =	rddreg [dreg:$0x9];
	[sflag:s8] =	ssyncadd.s32 $0xFFFFC000  }
0xc4: {  	[hbm4b:s1+s2] =	stream.linear.scatter [tilespmem:s4], [sflag:$0x9], $0x4000, $0x38;
	[tilespmem:$0x1C000] =	vst v63  }
0xc5: {  	s22 =	simm.s32 $0x14000;
	s3 =	rddreg [dreg:$0xa]  }
0xc6: {  	[tilespmem:s22], [sflag:$0x6] =	stream.linear.gather [hbm4b:s3+s2], $0x4000, $0x38;
	[tilespmem:$0x1C000] =	vst v63  }
0xc7: {  	_ =	swait.ge [sflag:s31], $0x4000  }
0xc8: {  	[sflag:s31] =	ssyncset.done $0x0  }
0xc9: {  	s29 =	simm.s32 $0x8000;
	s1 =	rddreg [dreg:$0xb];
	[sflag:s31] =	ssyncadd.s32 $0xFFFFC000  }
0xca: {  	[hbm4b:s1+s2] =	stream.linear.scatter [tilespmem:s29], [sflag:$0xA], $0x4000, $0x38;
	[tilespmem:$0x1C000] =	vst v63  }
0xcb: {  	s20 =	simm.s32 $0x18000;
	s3 =	rddreg [dreg:$0xc]  }
0xcc: {  	[tilespmem:s20], [sflag:$0x7] =	stream.linear.gather [hbm4b:s3+s2], $0x4000, $0x38;
	[tilespmem:$0x1C000] =	vst v63  }
0xcd: {  	_ =	swait.ge [sflag:s30], $0x4000  }
0xce: {  	[sflag:s30] =	ssyncset.done $0x0  }
0xcf: {  	s26 =	simm.s32 $0xC000;
	s1 =	rddreg [dreg:$0xd];
	[sflag:s30] =	ssyncadd.s32 $0xFFFFC000  }
0xd0: {  	[hbm4b:s1+s2] =	stream.linear.scatter [tilespmem:s26], [sflag:$0xB], $0x4000, $0x38;
	[tilespmem:$0x1C000] =	vst v63  }
0xd1: {  	_ =	swait.ge [sflag:s6], $0x4000  }
0xd2: {  	[sflag:s6] =	ssyncset.done $0x0  }
0xd3: {  	s1 =	rddreg [dreg:$0xe];
	[sflag:s6] =	ssyncadd.s32 $0xFFFFC000  }
0xd4: {  	[tilespmem:s2], [sflag:$0x1] =	stream.linear.gather [hbm4b:s1+s2], $0x4000, $0x38;
	[tilespmem:$0x1C000] =	vst v63  }
0xd5: {  	_ =	swait.ge [sflag:s28], $0x4000  }
0xd6: {  	[sflag:s28] =	ssyncset.done $0x0  }
0xd7: {  	s22 =	simm.s32 $0x10000;
	s1 =	rddreg [dreg:$0xf];
	[sflag:s28] =	ssyncadd.s32 $0xFFFFC000  }
0xd8: {  	[hbm4b:s1+s2] =	stream.linear.scatter [tilespmem:s22], [sflag:$0xC], $0x4000, $0x38;
	[tilespmem:$0x1C000] =	vst v63  }
0xd9: {  	_ =	swait.ge [sflag:s5], $0x4000  }
0xda: {  	[sflag:s5] =	ssyncset.done $0x0  }
0xdb: {  	s1 =	rddreg [dreg:$0x10];
	[sflag:s5] =	ssyncadd.s32 $0xFFFFC000  }
0xdc: {  	[tilespmem:s4], [sflag:$0x2] =	stream.linear.gather [hbm4b:s1+s2], $0x4000, $0x38;
	[tilespmem:$0x1C000] =	vst v63  }
0xdd: {  	_ =	swait.ge [sflag:s24], $0x4000  }
0xde: {  	[sflag:s24] =	ssyncset.done $0x0  }
0xdf: {  	s20 =	simm.s32 $0x14000;
	s1 =	rddreg [dreg:$0x11];
	[sflag:s24] =	ssyncadd.s32 $0xFFFFC000  }
0xe0: {  	[hbm4b:s1+s2] =	stream.linear.scatter [tilespmem:s20], [sflag:$0xD], $0x4000, $0x38;
	[tilespmem:$0x1C000] =	vst v63  }
0xe1: {  	s3 =	smov.u32 s7;
	_ =	swait.ge [sflag:s25], $0x4000  }
0xe2: {  	s7 =	smov.u32 s9;
	s9 =	smov.u32 s11;
	[sflag:s25] =	ssyncset.done $0x0  }
0xe3: {  	s11 =	smov.u32 s14;
	s1 =	rddreg [dreg:$0x12];
	[sflag:s25] =	ssyncadd.s32 $0xFFFFC000  }
0xe4: {  	[tilespmem:s29], [sflag:$0x3] =	stream.linear.gather [hbm4b:s1+s2], $0x4000, $0x38;
	[tilespmem:$0x1C000] =	vst v63  }
0xe5: {  	s14 =	smov.u32 s15;
	s15 =	smov.u32 s17;
	_ =	swait.ge [sflag:s23], $0x4000  }
0xe6: {  	s17 =	smov.u32 s19;
	s19 =	smov.u32 s16;
	[sflag:s23] =	ssyncset.done $0x0  }
0xe7: {  	s16 =	simm.s32 $0x18000;
	s1 =	rddreg [dreg:$0x13];
	[sflag:s23] =	ssyncadd.s32 $0xFFFFC000  }
0xe8: {  	[hbm4b:s1+s2] =	stream.linear.scatter [tilespmem:s16], [sflag:$0xE], $0x4000, $0x38;
	[tilespmem:$0x1C000] =	vst v63  }
0xe9: {  	_ =	swait.ge [sflag:s21], $0x4000  }
0xea: {  	[sflag:s21] =	ssyncset.done $0x0  }
0xeb: {  	s1 =	rddreg [dreg:$0x14];
	[sflag:s21] =	ssyncadd.s32 $0xFFFFC000  }
0xec: {  	[tilespmem:s26], [sflag:$0x4] =	stream.linear.gather [hbm4b:s1+s2], $0x4000, $0x38;
	[tilespmem:$0x1C000] =	vst v63  }
0xed: {  	_ =	swait.ge [sflag:s10], $0x4000  }
0xee: {  	[sflag:s10] =	ssyncset.done $0x0  }
0xef: {  	s1 =	rddreg [dreg:$0x15];
	[sflag:s10] =	ssyncadd.s32 $0xFFFFC000  }
0xf0: {  	[hbm4b:s1+s2] =	stream.linear.scatter [tilespmem:s2], [sflag:$0x8], $0x4000, $0x38;
	[tilespmem:$0x1C000] =	vst v63  }
0xf1: {  	_ =	swait.ge [sflag:s18], $0x4000  }
0xf2: {  	[sflag:s18] =	ssyncset.done $0x0  }
0xf3: {  	s1 =	rddreg [dreg:$0x16];
	[sflag:s18] =	ssyncadd.s32 $0xFFFFC000  }
0xf4: {  	[tilespmem:s22], [sflag:$0x5] =	stream.linear.gather [hbm4b:s1+s2], $0x4000, $0x38;
	[tilespmem:$0x1C000] =	vst v63  }
0xf5: {  	_ =	swait.ge [sflag:s8], $0x4000  }
0xf6: {  	[sflag:s8] =	ssyncset.done $0x0  }
0xf7: {  	s1 =	rddreg [dreg:$0x17];
	[sflag:s8] =	ssyncadd.s32 $0xFFFFC000  }
0xf8: {  	[hbm4b:s1+s2] =	stream.linear.scatter [tilespmem:s4], [sflag:$0x9], $0x4000, $0x38;
	[tilespmem:$0x1C000] =	vst v63  }
0xf9: {  	_ =	swait.ge [sflag:s13], $0x4000  }
0xfa: {  	[sflag:s13] =	ssyncset.done $0x0  }
0xfb: {  	s1 =	rddreg [dreg:$0x18];
	[sflag:s13] =	ssyncadd.s32 $0xFFFFC000  }
0xfc: {  	[tilespmem:s20], [sflag:$0x6] =	stream.linear.gather [hbm4b:s1+s2], $0x4000, $0x38;
	[tilespmem:$0x1C000] =	vst v63  }
0xfd: {  	_ =	swait.ge [sflag:s31], $0x4000  }
0xfe: {  	[sflag:s31] =	ssyncset.done $0x0  }
0xff: {  	s12 =	simm.s32 $0xE;
	s1 =	rddreg [dreg:$0x19];
	[sflag:s31] =	ssyncadd.s32 $0xFFFFC000  }
0x100: {  	[hbm4b:s1+s2] =	stream.linear.scatter [tilespmem:s29], [sflag:$0xA], $0x4000, $0x38;
	[tilespmem:$0x1C000] =	vst v63  }
0x101: {  	_ =	swait.ge [sflag:s12], $0x4000  }
0x102: {  	[sflag:s12] =	ssyncset.done $0x0  }
0x103: {  	s1 =	rddreg [dreg:$0x1a];
	[sflag:s12] =	ssyncadd.s32 $0xFFFFC000  }
0x104: {  	[tilespmem:s16], [sflag:$0x7] =	stream.linear.gather [hbm4b:s1+s2], $0x4000, $0x38;
	[tilespmem:$0x1C000] =	vst v63  }
0x105: {  	_ =	swait.ge [sflag:s30], $0x4000  }
0x106: {  	[sflag:s30] =	ssyncset.done $0x0  }
0x107: {  	[sflag:s30] =	ssyncadd.s32 $0xFFFFC000  }
0x108: {  	[hbm4b:s19+s2] =	stream.linear.scatter [tilespmem:s26], [sflag:$0xB], $0x4000, $0x38;
	[tilespmem:$0x1C000] =	vst v63  }
0x109: {  	_ =	swait.ge [sflag:s6], $0x4000  }
0x10a: {  	[sflag:s6] =	ssyncset.done $0x0  }
0x10b: {  	[sflag:s6] =	ssyncadd.s32 $0xFFFFC000  }
0x10c: {  	[tilespmem:s2], [sflag:$0x1] =	stream.linear.gather [hbm4b:s17+s2], $0x4000, $0x38;
	[tilespmem:$0x1C000] =	vst v63  }
0x10d: {  	_ =	swait.ge [sflag:s28], $0x4000  }
0x10e: {  	[sflag:s28] =	ssyncset.done $0x0  }
0x10f: {  	[sflag:s28] =	ssyncadd.s32 $0xFFFFC000  }
0x110: {  	[hbm4b:s15+s2] =	stream.linear.scatter [tilespmem:s22], [sflag:$0xC], $0x4000, $0x38;
	[tilespmem:$0x1C000] =	vst v63  }
0x111: {  	_ =	swait.ge [sflag:s5], $0x4000  }
0x112: {  	[sflag:s5] =	ssyncset.done $0x0  }
0x113: {  	[sflag:s5] =	ssyncadd.s32 $0xFFFFC000  }
0x114: {  	[tilespmem:s4], [sflag:$0x2] =	stream.linear.gather [hbm4b:s14+s2], $0x4000, $0x38;
	[tilespmem:$0x1C000] =	vst v63  }
0x115: {  	_ =	swait.ge [sflag:s24], $0x4000  }
0x116: {  	[sflag:s24] =	ssyncset.done $0x0  }
0x117: {  	[sflag:s24] =	ssyncadd.s32 $0xFFFFC000  }
0x118: {  	[hbm4b:s11+s2] =	stream.linear.scatter [tilespmem:s20], [sflag:$0xD], $0x4000, $0x38;
	[tilespmem:$0x1C000] =	vst v63  }
0x119: {  	_ =	swait.ge [sflag:s25], $0x4000  }
0x11a: {  	[sflag:s25] =	ssyncset.done $0x0  }
0x11b: {  	[sflag:s25] =	ssyncadd.s32 $0xFFFFC000  }
0x11c: {  	_ =	swait.ge [sflag:s23], $0x4000  }
0x11d: {  	[sflag:s23] =	ssyncset.done $0x0  }
0x11e: {  	[sflag:s23] =	ssyncadd.s32 $0xFFFFC000  }
0x11f: {  	[hbm4b:s9+s2] =	stream.linear.scatter [tilespmem:s16], [sflag:$0xE], $0x4000, $0x38;
	[tilespmem:$0x1C000] =	vst v63  }
0x120: {  	_ =	swait.ge [sflag:s21], $0x4000  }
0x121: {  	[sflag:s21] =	ssyncset.done $0x0  }
0x122: {  	[sflag:s21] =	ssyncadd.s32 $0xFFFFC000  }
0x123: {  	_ =	swait.ge [sflag:s10], $0x4000  }
0x124: {  	[sflag:s10] =	ssyncset.done $0x0  }
0x125: {  	[sflag:s10] =	ssyncadd.s32 $0xFFFFC000  }
0x126: {  	[hbm4b:s7+s2] =	stream.linear.scatter [tilespmem:s2], [sflag:$0x8], $0x4000, $0x38;
	[tilespmem:$0x1C000] =	vst v63  }
0x127: {  	_ =	swait.ge [sflag:s18], $0x4000  }
0x128: {  	[sflag:s18] =	ssyncset.done $0x0  }
0x129: {  	[sflag:s18] =	ssyncadd.s32 $0xFFFFC000  }
0x12a: {  	_ =	swait.ge [sflag:s8], $0x4000  }
0x12b: {  	[sflag:s8] =	ssyncset.done $0x0  }
0x12c: {  	[sflag:s8] =	ssyncadd.s32 $0xFFFFC000  }
0x12d: {  	[hbm4b:s3+s2] =	stream.linear.scatter [tilespmem:s4], [sflag:$0x9], $0x4000, $0x38;
	[tilespmem:$0x1C000] =	vst v63  }
0x12e: {  	_ =	swait.ge [sflag:s13], $0x4000  }
0x12f: {  	[sflag:s13] =	ssyncset.done $0x0  }
0x130: {  	[sflag:s13] =	ssyncadd.s32 $0xFFFFC000  }
0x131: {  	_ =	swait.ge [sflag:s12], $0x4000  }
0x132: {  	[sflag:s12] =	ssyncset.done $0x0  }
0x133: {  	p1 =	sne.s32 s0, $0x1;
	[sflag:s12] =	ssyncadd.s32 $0xFFFFC000  }
.Ltmp2:
0x134: {  	_ =	swait.ge [sflag:s6], $0x4000;
	(pc) =	sbr.rel @p1 .LBB2_2-.Ltmp2, $4  }
0x135: {  	[sflag:s6] =	ssyncset.done $0x0  }
0x136: {  	[sflag:s6] =	ssyncadd.s32 $0xFFFFC000  }
0x137: {  	_ =	swait.ge [sflag:s5], $0x4000  }
0x138: {  	s0 =	sadd.s32 $0xFFFFFFFF, s0;
	s1 =	rddreg [dreg:$0x3];
	[sflag:s5] =	ssyncset.done $0x0  }
.LBB2_3:
0x139: {  	[sflag:s5] =	ssyncadd.s32 @p0 $0xFFFFC000  }
0x13a: {  	[tilespmem:s2], [sflag:$0x1] =	stream.linear.gather [hbm4b:s1+s2], $0x4000, $0x38;
	[tilespmem:$0x1C000] =	vst v63  }
0x13b: {  	s0 =	rddreg [dreg:$0x4]  }
0x13c: {  	[tilespmem:s4], [sflag:$0x2] =	stream.linear.gather [hbm4b:s0+s2], $0x4000, $0x38;
	[tilespmem:$0x1C000] =	vst v63  }
0x13d: {  	s1 =	rddreg [dreg:$0x5]  }
0x13e: {  	[tilespmem:s29], [sflag:$0x3] =	stream.linear.gather [hbm4b:s1+s2], $0x4000, $0x38;
	[tilespmem:$0x1C000] =	vst v63  }
0x13f: {  	s0 =	rddreg [dreg:$0x6]  }
0x140: {  	[tilespmem:s26], [sflag:$0x4] =	stream.linear.gather [hbm4b:s0+s2], $0x4000, $0x38;
	[tilespmem:$0x1C000] =	vst v63  }
0x141: {  	_ =	swait.ge [sflag:s10], $0x4000  }
0x142: {  	[sflag:s10] =	ssyncset.done $0x0  }
0x143: {  	s0 =	rddreg [dreg:$0x7];
	[sflag:s10] =	ssyncadd.s32 $0xFFFFC000  }
0x144: {  	[hbm4b:s0+s2] =	stream.linear.scatter [tilespmem:s2], [sflag:$0x8], $0x4000, $0x38;
	[tilespmem:$0x1C000] =	vst v63  }
0x145: {  	s1 =	rddreg [dreg:$0x8]  }
0x146: {  	[tilespmem:s22], [sflag:$0x5] =	stream.linear.gather [hbm4b:s1+s2], $0x4000, $0x38;
	[tilespmem:$0x1C000] =	vst v63  }
0x147: {  	_ =	swait.ge [sflag:s8], $0x4000  }
0x148: {  	[sflag:s8] =	ssyncset.done $0x0  }
0x149: {  	s0 =	rddreg [dreg:$0x9];
	[sflag:s8] =	ssyncadd.s32 $0xFFFFC000  }
0x14a: {  	[hbm4b:s0+s2] =	stream.linear.scatter [tilespmem:s4], [sflag:$0x9], $0x4000, $0x38;
	[tilespmem:$0x1C000] =	vst v63  }
0x14b: {  	s1 =	rddreg [dreg:$0xa]  }
0x14c: {  	[tilespmem:s20], [sflag:$0x6] =	stream.linear.gather [hbm4b:s1+s2], $0x4000, $0x38;
	[tilespmem:$0x1C000] =	vst v63  }
0x14d: {  	_ =	swait.ge [sflag:s31], $0x4000  }
0x14e: {  	[sflag:s31] =	ssyncset.done $0x0  }
0x14f: {  	s0 =	rddreg [dreg:$0xb];
	[sflag:s31] =	ssyncadd.s32 $0xFFFFC000  }
0x150: {  	[hbm4b:s0+s2] =	stream.linear.scatter [tilespmem:s29], [sflag:$0xA], $0x4000, $0x38;
	[tilespmem:$0x1C000] =	vst v63  }
0x151: {  	s1 =	rddreg [dreg:$0xc]  }
0x152: {  	[tilespmem:s16], [sflag:$0x7] =	stream.linear.gather [hbm4b:s1+s2], $0x4000, $0x38;
	[tilespmem:$0x1C000] =	vst v63  }
0x153: {  	_ =	swait.ge [sflag:s30], $0x4000  }
0x154: {  	[sflag:s30] =	ssyncset.done $0x0  }
0x155: {  	s1 =	rddreg [dreg:$0xd];
	[sflag:s30] =	ssyncadd.s32 $0xFFFFC000  }
0x156: {  	[hbm4b:s1+s2] =	stream.linear.scatter [tilespmem:s26], [sflag:$0xB], $0x4000, $0x38;
	[tilespmem:$0x1C000] =	vst v63  }
0x157: {  	_ =	swait.ge [sflag:s6], $0x4000  }
0x158: {  	[sflag:s6] =	ssyncset.done $0x0  }
0x159: {  	s1 =	rddreg [dreg:$0xe];
	[sflag:s6] =	ssyncadd.s32 $0xFFFFC000  }
0x15a: {  	[tilespmem:s2], [sflag:$0x1] =	stream.linear.gather [hbm4b:s1+s2], $0x4000, $0x38;
	[tilespmem:$0x1C000] =	vst v63  }
0x15b: {  	_ =	swait.ge [sflag:s28], $0x4000  }
0x15c: {  	[sflag:s28] =	ssyncset.done $0x0  }
0x15d: {  	s1 =	rddreg [dreg:$0xf];
	[sflag:s28] =	ssyncadd.s32 $0xFFFFC000  }
0x15e: {  	[hbm4b:s1+s2] =	stream.linear.scatter [tilespmem:s22], [sflag:$0xC], $0x4000, $0x38;
	[tilespmem:$0x1C000] =	vst v63  }
0x15f: {  	_ =	swait.ge [sflag:s5], $0x4000  }
0x160: {  	[sflag:s5] =	ssyncset.done $0x0  }
0x161: {  	s1 =	rddreg [dreg:$0x10];
	[sflag:s5] =	ssyncadd.s32 $0xFFFFC000  }
0x162: {  	[tilespmem:s4], [sflag:$0x2] =	stream.linear.gather [hbm4b:s1+s2], $0x4000, $0x38;
	[tilespmem:$0x1C000] =	vst v63  }
0x163: {  	_ =	swait.ge [sflag:s24], $0x4000  }
0x164: {  	[sflag:s24] =	ssyncset.done $0x0  }
0x165: {  	s1 =	rddreg [dreg:$0x11];
	[sflag:s24] =	ssyncadd.s32 $0xFFFFC000  }
0x166: {  	[hbm4b:s1+s2] =	stream.linear.scatter [tilespmem:s20], [sflag:$0xD], $0x4000, $0x38;
	[tilespmem:$0x1C000] =	vst v63  }
0x167: {  	_ =	swait.ge [sflag:s25], $0x4000  }
0x168: {  	[sflag:s25] =	ssyncset.done $0x0  }
0x169: {  	s1 =	rddreg [dreg:$0x12];
	[sflag:s25] =	ssyncadd.s32 $0xFFFFC000  }
0x16a: {  	[tilespmem:s29], [sflag:$0x3] =	stream.linear.gather [hbm4b:s1+s2], $0x4000, $0x38;
	[tilespmem:$0x1C000] =	vst v63  }
0x16b: {  	_ =	swait.ge [sflag:s23], $0x4000  }
0x16c: {  	[sflag:s23] =	ssyncset.done $0x0  }
0x16d: {  	s1 =	rddreg [dreg:$0x13];
	[sflag:s23] =	ssyncadd.s32 $0xFFFFC000  }
0x16e: {  	[hbm4b:s1+s2] =	stream.linear.scatter [tilespmem:s16], [sflag:$0xE], $0x4000, $0x38;
	[tilespmem:$0x1C000] =	vst v63  }
0x16f: {  	_ =	swait.ge [sflag:s21], $0x4000  }
0x170: {  	[sflag:s21] =	ssyncset.done $0x0  }
0x171: {  	s1 =	rddreg [dreg:$0x14];
	[sflag:s21] =	ssyncadd.s32 $0xFFFFC000  }
0x172: {  	[tilespmem:s26], [sflag:$0x4] =	stream.linear.gather [hbm4b:s1+s2], $0x4000, $0x38;
	[tilespmem:$0x1C000] =	vst v63  }
0x173: {  	_ =	swait.ge [sflag:s10], $0x4000  }
0x174: {  	[sflag:s10] =	ssyncset.done $0x0  }
0x175: {  	s1 =	rddreg [dreg:$0x15];
	[sflag:s10] =	ssyncadd.s32 $0xFFFFC000  }
0x176: {  	[hbm4b:s1+s2] =	stream.linear.scatter [tilespmem:s2], [sflag:$0x8], $0x4000, $0x38;
	[tilespmem:$0x1C000] =	vst v63  }
0x177: {  	_ =	swait.ge [sflag:s18], $0x4000  }
0x178: {  	[sflag:s18] =	ssyncset.done $0x0  }
0x179: {  	s1 =	rddreg [dreg:$0x16];
	[sflag:s18] =	ssyncadd.s32 $0xFFFFC000  }
0x17a: {  	[tilespmem:s22], [sflag:$0x5] =	stream.linear.gather [hbm4b:s1+s2], $0x4000, $0x38;
	[tilespmem:$0x1C000] =	vst v63  }
0x17b: {  	_ =	swait.ge [sflag:s8], $0x4000  }
0x17c: {  	[sflag:s8] =	ssyncset.done $0x0  }
0x17d: {  	s1 =	rddreg [dreg:$0x17];
	[sflag:s8] =	ssyncadd.s32 $0xFFFFC000  }
0x17e: {  	[hbm4b:s1+s2] =	stream.linear.scatter [tilespmem:s4], [sflag:$0x9], $0x4000, $0x38;
	[tilespmem:$0x1C000] =	vst v63  }
0x17f: {  	_ =	swait.ge [sflag:s13], $0x4000  }
0x180: {  	[sflag:s13] =	ssyncset.done $0x0  }
0x181: {  	s1 =	rddreg [dreg:$0x18];
	[sflag:s13] =	ssyncadd.s32 $0xFFFFC000  }
0x182: {  	[tilespmem:s20], [sflag:$0x6] =	stream.linear.gather [hbm4b:s1+s2], $0x4000, $0x38;
	[tilespmem:$0x1C000] =	vst v63  }
0x183: {  	_ =	swait.ge [sflag:s31], $0x4000  }
0x184: {  	[sflag:s31] =	ssyncset.done $0x0  }
0x185: {  	s1 =	rddreg [dreg:$0x19];
	[sflag:s31] =	ssyncadd.s32 $0xFFFFC000  }
0x186: {  	[hbm4b:s1+s2] =	stream.linear.scatter [tilespmem:s29], [sflag:$0xA], $0x4000, $0x38;
	[tilespmem:$0x1C000] =	vst v63  }
0x187: {  	_ =	swait.ge [sflag:s12], $0x4000  }
0x188: {  	[sflag:s12] =	ssyncset.done $0x0  }
0x189: {  	s29 =	rddreg [dreg:$0x1a];
	[sflag:s12] =	ssyncadd.s32 $0xFFFFC000  }
0x18a: {  	[tilespmem:s16], [sflag:$0x7] =	stream.linear.gather [hbm4b:s29+s2], $0x4000, $0x38;
	[tilespmem:$0x1C000] =	vst v63  }
0x18b: {  	_ =	swait.ge [sflag:s30], $0x4000  }
0x18c: {  	[sflag:s30] =	ssyncset.done $0x0  }
0x18d: {  	[sflag:s30] =	ssyncadd.s32 $0xFFFFC000  }
0x18e: {  	[hbm4b:s19+s2] =	stream.linear.scatter [tilespmem:s26], [sflag:$0xB], $0x4000, $0x38;
	[tilespmem:$0x1C000] =	vst v63  }
0x18f: {  	_ =	swait.ge [sflag:s6], $0x4000  }
0x190: {  	[sflag:s6] =	ssyncset.done $0x0  }
0x191: {  	[sflag:s6] =	ssyncadd.s32 $0xFFFFC000  }
0x192: {  	[tilespmem:s2], [sflag:$0x1] =	stream.linear.gather [hbm4b:s17+s2], $0x4000, $0x38;
	[tilespmem:$0x1C000] =	vst v63  }
0x193: {  	_ =	swait.ge [sflag:s28], $0x4000  }
0x194: {  	[sflag:s28] =	ssyncset.done $0x0  }
0x195: {  	[sflag:s28] =	ssyncadd.s32 $0xFFFFC000  }
0x196: {  	[hbm4b:s15+s2] =	stream.linear.scatter [tilespmem:s22], [sflag:$0xC], $0x4000, $0x38;
	[tilespmem:$0x1C000] =	vst v63  }
0x197: {  	_ =	swait.ge [sflag:s5], $0x4000  }
0x198: {  	[sflag:s5] =	ssyncset.done $0x0  }
0x199: {  	[sflag:s5] =	ssyncadd.s32 $0xFFFFC000  }
0x19a: {  	[tilespmem:s4], [sflag:$0x2] =	stream.linear.gather [hbm4b:s14+s2], $0x4000, $0x38;
	[tilespmem:$0x1C000] =	vst v63  }
0x19b: {  	_ =	swait.ge [sflag:s24], $0x4000  }
0x19c: {  	[sflag:s24] =	ssyncset.done $0x0  }
0x19d: {  	[sflag:s24] =	ssyncadd.s32 $0xFFFFC000  }
0x19e: {  	[hbm4b:s11+s2] =	stream.linear.scatter [tilespmem:s20], [sflag:$0xD], $0x4000, $0x38;
	[tilespmem:$0x1C000] =	vst v63  }
0x19f: {  	_ =	swait.ge [sflag:s25], $0x4000  }
0x1a0: {  	[sflag:s25] =	ssyncset.done $0x0  }
0x1a1: {  	[sflag:s25] =	ssyncadd.s32 $0xFFFFC000  }
0x1a2: {  	_ =	swait.ge [sflag:s23], $0x4000  }
0x1a3: {  	[sflag:s23] =	ssyncset.done $0x0  }
0x1a4: {  	[sflag:s23] =	ssyncadd.s32 $0xFFFFC000  }
0x1a5: {  	[hbm4b:s9+s2] =	stream.linear.scatter [tilespmem:s16], [sflag:$0xE], $0x4000, $0x38;
	[tilespmem:$0x1C000] =	vst v63  }
0x1a6: {  	_ =	swait.ge [sflag:s21], $0x4000  }
0x1a7: {  	[sflag:s21] =	ssyncset.done $0x0  }
0x1a8: {  	[sflag:s21] =	ssyncadd.s32 $0xFFFFC000  }
0x1a9: {  	_ =	swait.ge [sflag:s10], $0x4000  }
0x1aa: {  	[sflag:s10] =	ssyncset.done $0x0  }
0x1ab: {  	[sflag:s10] =	ssyncadd.s32 $0xFFFFC000  }
0x1ac: {  	[hbm4b:s7+s2] =	stream.linear.scatter [tilespmem:s2], [sflag:$0x8], $0x4000, $0x38;
	[tilespmem:$0x1C000] =	vst v63  }
0x1ad: {  	_ =	swait.ge [sflag:s18], $0x4000  }
0x1ae: {  	[sflag:s18] =	ssyncset.done $0x0  }
0x1af: {  	[sflag:s18] =	ssyncadd.s32 $0xFFFFC000  }
0x1b0: {  	_ =	swait.ge [sflag:s8], $0x4000  }
0x1b1: {  	[sflag:s8] =	ssyncset.done $0x0  }
0x1b2: {  	[sflag:s8] =	ssyncadd.s32 $0xFFFFC000  }
0x1b3: {  	[hbm4b:s3+s2] =	stream.linear.scatter [tilespmem:s4], [sflag:$0x9], $0x4000, $0x38;
	[tilespmem:$0x1C000] =	vst v63  }
0x1b4: {  	_ =	swait.ge [sflag:s13], $0x4000  }
0x1b5: {  	[sflag:s13] =	ssyncset.done $0x0  }
0x1b6: {  	[sflag:s13] =	ssyncadd.s32 $0xFFFFC000  }
0x1b7: {  	_ =	swait.ge [sflag:s12], $0x4000  }
0x1b8: {  	[sflag:s12] =	ssyncset.done $0x0  }
0x1b9: {  	[sflag:s12] =	ssyncadd.s32 $0xFFFFC000  }
0x1ba: {  	_ =	swait.ge [sflag:s6], $0x4000  }
0x1bb: {  	[sflag:s6] =	ssyncset.done $0x0  }
0x1bc: {  	[sflag:s6] =	ssyncadd.s32 $0xFFFFC000  }
0x1bd: {  	_ =	swait.ge [sflag:s5], $0x4000  }
0x1be: {  	[sflag:s5] =	ssyncset.done $0x0  }
0x1bf: {  	[sflag:s5] =	ssyncadd.s32 $0xFFFFC000  }
0x1c0: {  	_ =	sfence.sel $0x180000  }
0x1c1: {  	[bflag:$0x0] =	sbarrier.arrive $0xFFFF  }
0x1c2: {  	_ =	strace $0x9000004A  }
0x1c3: {  	s31 =	stileid.u32;
	[bflag:$0x2] =	sbarrier.arrive $0xFFFF  }
0x1c4: {  	p0 =	sne.s32 s31, $0x0;
	s0 =	rddreg [dreg:$0x2]  }
0x1c5: {  	s0 =	sadd.s32 @!p0 $0x100000, s0  }
0x1c6: {  	[sflag:s0] =	ssyncadd.tile.s32 @!p0 $0x1;
	_ =	shalt  }
.Lfunc_end2:
_tile_overlayer_lowered:
.L_overlay_start_2:
0x1c7: {  	(tag) =	ssettag $0x2  }
0x1c8: {  	s0 =	rddreg [dreg:$0x0];
	s2 =	stileid.u32  }
0x1c9: {  	s1 =	rddreg [dreg:$0x1];
	p0 =	sne.s32 s2, $0x0  }
0x1ca: {  	s3 =	rddreg [dreg:$0x2];
	[bflag:$0x3] =	sbarrier.arrive $0xFFFF;
	s2 =	simm.s32 @!p0 $0x1C0F  }
0x1cb: {  	[timem:s3], [sflag:s2] =	dma.local @!p0 [hbm:s0], s1  }
0x1cc: {  	s0 =	simm.s32 @!p0 $0xF  }
0x1cd: {  	_ =	swait.ge @!p0 [sflag:s0], s1  }
0x1ce: {  	s1 =	ssub.s32 @!p0 $0x0, s1;
	[sflag:s0] =	ssyncset.done @!p0 $0x0  }
0x1cf: {  	[sflag:s0] =	ssyncadd.s32 @!p0 s1  }
0x1d0: {  	[bflag:$0x3] =	sbarrier.arrive $0xFFFF  }
0x1d1: {  	_ =	shalt  }

// kernel: sparse-core-data-format-call.cloned.1.call-start
scs
called_computation_lowered:
.L_overlay_start_0:
0x0: {  	s2 =	sld [smem:$0x3FD9]  }
0x1: {  	s3 =	sld [smem:$0x3FFE];
	_ =	sdelay $0x1  }
0x2: {  	s1 =	srdreg.scid  }
0x3: {  	s0 =	sand.u32 $0x1, s1  }
0x4: {  	s19 =	sshll.u32 s0, $0xA;
	s2 =	sadd.s32 s3, s2  }
0x5: {  	s2 =	sadd.s32 s2, s19  }
0x6: {  	[smem:$0x3FC6] =	sst s2  }
0x7: {  	_ = 	snop  }
0x8: {  	s2 =	sld [smem:$0x3FC9]  }
0x9: {  	s20 =	sld [smem:$0x3FD0];
	(tm) =	ssettm $0x1  }
0xa: {  	s4 =	sld [smem:$0x3FFB];
	_ =	sdelay $0x3  }
0xb: {  	_ =	strace s4  }
0xc: {  	s4 =	sld [smem:$0x3FFC];
	_ =	sdelay $0x3  }
0xd: {  	_ =	strace s4  }
0xe: {  	s4 =	sld [smem:$0x3FFD];
	_ =	sdelay $0x3  }
0xf: {  	_ =	strace s4  }
0x10: {  	_ =	strace $0x8FFFFFFF  }
0x11: {  	s21 =	sld [smem:$0x3FDB];
	_ =	sdelay $0x1  }
0x12: {  	s5 =	simm.s32 $_scs_section_size  }
0x13: {  	s6 =	simm.s32 $_size__tile_overlayer_lowered;
	s7 =	simm.s32 $_tile_overlayer_lowered  }
0x14: {  	s24 =	simm.s32 $0x1BFF;
	s23 =	sshll.u32 s7, $0x1;
	s4 =	sadd.s32 s5, s21  }
0x15: {  	s8 =	simm.s32 $0x0;
	s22 =	sshll.u32 s6, $0x1;
	s6 =	sadd.s32 s23, s4  }
0x16: {  	[timem:s8], [sflag:s24] =	dma.local [hbm:s6], s22  }
0x17: {  	_ =	swait.ge [sflag:s24], s22  }
0x18: {  	s5 =	ssub.s32 $0x0, s22;
	[sflag:s24] =	ssyncset.done $0x0  }
0x19: {  	[sflag:s24] =	ssyncadd.s32 s5;
	_ =	sdelay $0x1  }
0x1a: {  	s25 =	simm.s32 $0x1B8B  }
0x1b: {  	_ =	swait.ge [sflag:s25], $0x1  }
0x1c: {  	[sflag:s25] =	ssyncset.done $0x0  }
0x1d: {  	s26 =	simm.s32 $0x1B8E;
	[sflag:s25] =	ssyncadd.s32 $0xFFFFFFFF  }
0x1e: {  	s27 =	simm.s32 $execute0_lowered;
	[smem:$0x3FD2] =	sst s26  }
0x1f: {  	s5 =	sshll.u32 s27, $0x1;
	_ =	strace $0x80000046;
	[dreg:$0x1] =	wrdreg $0xFFFFFFFF  }
0x20: {  	s28 =	simm.s32 $_size_execute0_lowered;
	s4 =	sadd.s32 s4, s5;
	[dreg:$0x0] =	wrdreg $0x0  }
0x21: {  	s5 =	sshll.u32 s28, $0x1;
	[dreg:$0x2] =	wrdreg s4  }
0x22: {  	[dreg:$0x3] =	wrdreg s5  }
0x23: {  	[dreg:$0x4] =	wrdreg $0xC0  }
0x24: {  	_ =	task [dreg:s8], $0x5FFFF  }
0x25: {  	[dreg:$0x1] =	wrdreg $0xFFFFFFFF  }
0x26: {  	[dreg:$0x0] =	wrdreg $0x60  }
0x27: {  	[dreg:$0x2] =	wrdreg s2  }
0x28: {  	[dreg:$0x3] =	wrdreg s20  }
0x29: {  	[dreg:$0x4] =	wrdreg $0x9  }
0x2a: {  	_ =	task.clear_ibuf [dreg:s8], $0x5FFFF;
	_ =	strace $0x90000046  }
0x2b: {  	s29 =	simm.s32 $0x9;
	_ =	strace $0x80000048  }
0x2c: {  	_ =	swait.ge [sflag:s29], $0x1  }
0x2d: {  	[sflag:s29] =	ssyncadd.s32 $0xFFFFFFFF  }
0x2e: {  	_ =	strace $0x90000048  }
0x2f: {  	_ =	sfence  }
0x30: {  	s30 =	sld [smem:$0x0];
	_ =	sdelay $0x2  }
0x31: {  	s31 =	sshll.u32 s1, $0xD;
	s1 =	sshrl.u32 s1, $0x2  }
0x32: {  	s3 =	sand.u32 $0x4000, s31;
	s1 =	sadd.s32 s1, s30  }
0x33: {  	s0 =	sor.u32 s3, s0;
	s1 =	sshll.u32 s1, $0x11  }
0x34: {  	s0 =	sor.u32 s1, s0  }
0x35: {  	s0 =	sadd.s32 $0x8F2B, s0  }
0x36: {  	[sflag:s0] =	ssyncadd.remote.s32 $0x1  }
0x37: {  	_ =	sfence.sel $0xFFFF  }
0x38: {  	[dreg:$0x0] =	wrdreg $0xFFFFFFFF;
	(pc) =	sbr.abs _section_cstart, $3  }
0x39: {  	[dreg:$0x1] =	wrdreg $0xFFFFFFFF  }
0x3a: {  	_ =	task.clear_ibuf [dreg:s8], $0x2FFFF;
	_ =	strace $0x9FFFFFFF  }
0x3b: {  	(tm) =	ssettm $0x7FFFFFFF  }
tec
execute0_lowered:
.L_overlay_start_1:
0x0: {  	(tag) =	ssettag $0x1  }
0x1: {  	s0 =	srdreg.scid  }
0x2: {  	s1 =	sshll.u32 s0, $0x4  }
0x3: {  	s2 =	rddreg [dreg:$0x0];
	s0 =	stileid.u32;
	s1 =	sand.u32 $0x10, s1  }
0x4: {  	s4 =	rddreg [dreg:$0x1];
	s1 =	sor.u32 s0, s1  }
0x5: {  	s7 =	simm.s32 $0x1;
	s8 =	simm.s32 $0x2;
	s3 =	sshll.u32 s1, $0x1  }
0x6: {  	s9 =	simm.s32 $0x0;
	s12 =	simm.s32 $0x0;
	s6 =	ssub.s32 $0x400, s3  }
.Ltmp0:
0x7: {  	s11 =	simm.s32 $0x0;
	s5 =	sand.u32 $0x3E, s6;
	(pc) =	sbr.rel .LBB1_1-.Ltmp0, $4  }
0x8: {  	s1 =	rddreg [dreg:$0x2];
	_ =	strace $0x80000047;
	p0 =	sne.s32 s5, $0x0  }
0x9: {  	s6 =	sshrl.u32 s6, $0x6;
	s5 =	simm.s32 $0x1;
	s7 =	simm.s32 @!p0 $0x0  }
0xa: {  	s10 =	smov.u32 s3;
	[sflag:s5] =	ssyncpa.u1 $0x0;
	s6 =	sadd.s32 s7, s6  }
0xb: {  	[sflag:s8] =	ssyncpa.u1 $0x0;
	s8 =	simm.s32 $0x0;
	s7 =	sadd.s32 $0x1, s6  }
.LBB1_9:
0xc: {  	s14 =	sadd.s32 $0x40, s10  }
0xd: {  	p1 =	sgt.s32 s14, $0x3FF  }
0xe: {  	s14 =	smov.u32 @p1 s3;
	p1 =	sne.s32 s11, s7  }
.Ltmp1:
0xf: {  	p0 =	slt.u32 s11, $0x2;
	(pc) =	sbr.rel @!p1 .LBB1_10-.Ltmp1, $4  }
0x10: {  	s13 =	simm.s32 @!p0 $0x2  }
0x11: {  	s15 =	sadd.s32 $0x1, s11;
	_ =	swait.ge @!p0 [sflag:s13], $0x4000  }
0x12: {  	s12 =	smov.u32 s10;
	s9 =	sadd.s32 $0x4000, s9;
	[sflag:s13] =	ssyncset.done @!p0 $0x0  }
0x13: {  	s11 =	smov.u32 s15;
	s10 =	smov.u32 s14;
	[sflag:s13] =	ssyncadd.s32 @!p0 $0xFFFFC000  }
.LBB1_1:
0x14: {  	p0 =	sge.u32 s11, s6  }
0x15: {  	s13 =	sxor.u32 @!p0 $0xFFFFFFFF, s11  }
0x16: {  	s31 =	sadd.s32 $0xFFFFFFFF, s11;
	s14 =	sshll.u32 @!p0 s10, $0xA;
	s13 =	sshll.u32 @!p0 s13, $0xE  }
0x17: {  	s15 =	simm.s32 @!p0 $0x0;
	s14 =	sadd.s32 @!p0 s2, s14;
	s13 =	sand.u32 @!p0 $0x4000, s13  }
0x18: {  	[tilespmem:s13], [sflag:$0x1] =	stream.linear.gather @!p0 [hbm4b:s14+s15], $0x4000, $0x38;
	[tilespmem:$0x10000] =	vst v63  }
0x19: {  	p0 =	sge.u32 s31, s6  }
.Ltmp2:
0x1a: {  	_ = 	snop;
	(pc) =	sbr.rel @p0 .LBB1_9-.Ltmp2, $1  }
0x1b: {  	_ =	sdelay $0x3  }
0x1c: {  	s13 =	sshll.u32 s9, $0x2  }
0x1d: {  	_ =	swait.ge [sflag:s5], $0x4000;
	s14 =	sshll.u32 s11, $0xE;
	s16 =	simm.s32 $0x0  }
0x1e: {  	p1 =	por $0x1, $0x1;
	s13 =	sand.u32 $0x10000, s13;
	[sflag:s5] =	ssyncset.done $0x0  }
0x1f: {  	s14 =	sand.u32 $0x4000, s14;
	s15 =	sshrl.u32 s13, $0x2;
	[sflag:s5] =	ssyncadd.s32 $0xFFFFC000  }
0x20: {  	s13 =	sor.u32 $0x8000, s14;
	s14 =	sadd.s32 $0x8040, s15;
	s15 =	sadd.s32 $0x40, s15  }
.LBB1_3:
0x21: {  	s16 =	sshll.u32 s16, $0x2  }
0x22: {  	p0 =	por p1, p1;
	s17 =	sshra.s32 s16, $0x2  }
0x23: {  	s18 =	simm.s32 $0x0;
	s16 =	sadd.s32 s17, s14;
	s17 =	sadd.s32 s17, s15  }
.LBB1_4:
0x24: {  	v0 =	vmov s17;
	_ =	sdelay $0x3  }
0x25: {  	s20 =	simm.s32 $0x0  }
0x26: {  	v6 =	vld.idx.msk [tilespmem:v0+s20+$0x30 ss:$0x1], $0xffff  }
0x27: {  	v7 =	vld.idx.msk [tilespmem:v0+s20+$0xFFFFFFC0 ss:$0x1], $0xffff  }
0x28: {  	v5 =	vld.idx.msk [tilespmem:v0+s20+$0xFFFFFFD0 ss:$0x1], $0xffff  }
0x29: {  	v4 =	vld.idx.msk [tilespmem:v0+s20+$0xFFFFFFE0 ss:$0x1], $0xffff  }
0x2a: {  	v3 =	vld.idx.msk [tilespmem:v0+s20+$0xFFFFFFF0 ss:$0x1], $0xffff  }
0x2b: {  	v1 =	vld.idx.msk [tilespmem:v0+s20+$0x0 ss:$0x1], $0xffff  }
0x2c: {  	v2 =	vld.idx.msk [tilespmem:v0+s20+$0x10 ss:$0x1], $0xffff;
	[tilespmem:s16+$0x30] =	vst v6  }
0x2d: {  	s19 =	simm.s32 $0x80;
	s21 =	simm.s32 $0x400;
	[tilespmem:s16+$0xFFFFFFC0] =	vst v7;
	v6 =	vld.idx.msk [tilespmem:v0+s20+$0x20 ss:$0x1], $0xffff;
	s20 =	smov.u32 s16  }
.LBB1_5:
0x2e: {  	p1 =	sne.s32 s21, $0xE00;
	v7 =	vld.idx.msk [tilespmem:v0+s19+$0x30 ss:$0x1], $0xffff;
	[tilespmem:s20+$0xFFFFFFD0] =	vst v5  }
0x2f: {  	v8 =	vld.idx.msk [tilespmem:v0+s19+$0xFFFFFFC0 ss:$0x1], $0xffff;
	[tilespmem:s20+$0xFFFFFFE0] =	vst v4  }
0x30: {  	v5 =	vld.idx.msk [tilespmem:v0+s19+$0xFFFFFFD0 ss:$0x1], $0xffff;
	[tilespmem:s20+$0xFFFFFFF0] =	vst v3  }
.Ltmp3:
0x31: {  	v4 =	vld.idx.msk [tilespmem:v0+s19+$0xFFFFFFE0 ss:$0x1], $0xffff;
	[tilespmem:s20+$0x0] =	vst v1;
	(pc) =	sbr.rel @p1 .LBB1_5-.Ltmp3, $4  }
0x32: {  	v3 =	vld.idx.msk [tilespmem:v0+s19+$0xFFFFFFF0 ss:$0x1], $0xffff;
	[tilespmem:s20+$0x10] =	vst v2  }
0x33: {  	v1 =	vld.idx.msk [tilespmem:v0+s19+$0x0 ss:$0x1], $0xffff;
	[tilespmem:s20+$0x20] =	vst v6;
	s20 =	sadd.s32 $0x400, s20  }
0x34: {  	v2 =	vld.idx.msk [tilespmem:v0+s19+$0x10 ss:$0x1], $0xffff;
	[tilespmem:s20+$0x30] =	vst v7  }
0x35: {  	[tilespmem:s20+$0xFFFFFFC0] =	vst v8;
	v6 =	vld.idx.msk [tilespmem:v0+s19+$0x20 ss:$0x1], $0xffff;
	s19 =	sshra.s32 s21, $0x2;
	s21 =	sadd.s32 $0x200, s21  }
0x36: {  	_ =	sdelay $0x2  }
0x37: {  	[tilespmem:s20+$0xFFFFFFD0] =	vst v5  }
0x38: {  	v56 =	vld.idx.msk [tilespmem:v0+s19+$0x30 ss:$0x1], $0xffff;
	[tilespmem:s20+$0xFFFFFFE0] =	vst v4  }
0x39: {  	v57 =	vld.idx.msk [tilespmem:v0+s19+$0xFFFFFFC0 ss:$0x1], $0xffff;
	[tilespmem:s20+$0xFFFFFFF0] =	vst v3  }
0x3a: {  	v58 =	vld.idx.msk [tilespmem:v0+s19+$0xFFFFFFD0 ss:$0x1], $0xffff;
	[tilespmem:s20+$0x0] =	vst v1  }
0x3b: {  	v59 =	vld.idx.msk [tilespmem:v0+s19+$0xFFFFFFE0 ss:$0x1], $0xffff;
	[tilespmem:s20+$0x10] =	vst v2  }
0x3c: {  	v60 =	vld.idx.msk [tilespmem:v0+s19+$0xFFFFFFF0 ss:$0x1], $0xffff;
	s31 =	sadd.s32 $0x400, s20;
	[tilespmem:s20+$0x20] =	vst v6  }
0x3d: {  	v61 =	vld.idx.msk [tilespmem:v0+s19+$0x0 ss:$0x1], $0xffff;
	[tilespmem:s31+$0x30] =	vst v56  }
0x3e: {  	v62 =	vld.idx.msk [tilespmem:v0+s19+$0x10 ss:$0x1], $0xffff;
	s18 =	sadd.s32 $0x1, s18;
	[tilespmem:s31+$0xFFFFFFC0] =	vst v57  }
0x3f: {  	v63 =	vld.idx.msk [tilespmem:v0+s19+$0x20 ss:$0x1], $0xffff;
	p1 =	sne.s32 s18, $0x8;
	[tilespmem:s31+$0xFFFFFFD0] =	vst v58  }
.Ltmp4:
0x40: {  	[tilespmem:s31+$0xFFFFFFE0] =	vst v59;
	(pc) =	sbr.rel @p1 .LBB1_4-.Ltmp4, $4  }
0x41: {  	[tilespmem:s31+$0xFFFFFFF0] =	vst v60  }
0x42: {  	[tilespmem:s31+$0x0] =	vst v61  }
0x43: {  	[tilespmem:s31+$0x10] =	vst v62  }
0x44: {  	s16 =	sadd.s32 $0x80, s16;
	s17 =	sadd.s32 $0x400, s17;
	[tilespmem:s31+$0x20] =	vst v63  }
.Ltmp5:
0x45: {  	(pc) =	sbr.rel @p0 .LBB1_3-.Ltmp5, $2  }
0x46: {  	_ =	sdelay $0x2  }
0x47: {  	s16 =	simm.s32 $0x2000;
	p1 =	por $0x0, $0x0  }
.Ltmp6:
0x48: {  	(pc) =	sbr.rel .LBB1_9-.Ltmp6, $4  }
0x49: {  	_ = 	snop  }
0x4a: {  	s12 =	sshll.u32 s12, $0xA  }
0x4b: {  	s12 =	sadd.s32 s4, s12  }
0x4c: {  	[hbm4b:s12+s8] =	stream.linear.scatter [tilespmem:s13], [sflag:$0x2], $0x4000, $0x38;
	[tilespmem:$0x10000] =	vst v63  }
.LBB1_10:
0x4d: {  	_ =	sfence.sel $0x180000  }
0x4e: {  	s2 =	simm.s32 $0x1;
	[bflag:$0x0] =	sbarrier.arrive $0xFFFF  }
0x4f: {  	s31 =	simm.s32 $0x2;
	[sflag:s2] =	ssyncpa.u1 $0x1  }
0x50: {  	[sflag:s31] =	ssyncpa.u1 $0x1  }
0x51: {  	p0 =	sne.s32 s0, $0x0;
	_ =	strace $0x90000047  }
0x52: {  	s0 =	sadd.s32 @!p0 $0x100000, s1;
	[bflag:$0x2] =	sbarrier.arrive $0xFFFF  }
0x53: {  	[sflag:s0] =	ssyncadd.tile.s32 @!p0 $0x1;
	_ =	shalt  }
.Lfunc_end1:
_tile_overlayer_lowered:
.L_overlay_start_2:
0x54: {  	(tag) =	ssettag $0x2  }
0x55: {  	s0 =	rddreg [dreg:$0x0];
	s2 =	stileid.u32  }
0x56: {  	s1 =	rddreg [dreg:$0x1];
	p0 =	sne.s32 s2, $0x0  }
0x57: {  	s3 =	rddreg [dreg:$0x2];
	[bflag:$0x3] =	sbarrier.arrive $0xFFFF;
	s2 =	simm.s32 @!p0 $0x1C01  }
0x58: {  	[timem:s3], [sflag:s2] =	dma.local @!p0 [hbm:s0], s1  }
0x59: {  	s0 =	simm.s32 @!p0 $0x1  }
0x5a: {  	_ =	swait.ge @!p0 [sflag:s0], s1  }
0x5b: {  	s1 =	ssub.s32 @!p0 $0x0, s1;
	[sflag:s0] =	ssyncset.done @!p0 $0x0  }
0x5c: {  	[sflag:s0] =	ssyncadd.s32 @!p0 s1  }
0x5d: {  	[bflag:$0x3] =	sbarrier.arrive $0xFFFF  }
0x5e: {  	_ =	shalt  }

</sc_bundles>
